<compile_context>
chip_gen: v7x
topology: tpu7x:2x2x1
jax: 0.10.2.dev20260603
libtpu: 0.0.44.dev20260713+nightly
codegen_flags: <defaults>
</compile_context>

<pallas_src>
import functools

import jax
import jax.numpy as jnp
from jax import lax
from jax.experimental import pallas as pl
from jax.experimental.pallas import tpu as pltpu
from jax.experimental.pallas import tpu_sc as plsc

_NC = 2
_NS = 16
_NW = _NC * _NS

_B = 80
_KI = 8
_LW = 128


def _sc_scatter_partials(idx2d, attr, zeros, e, de, npad):
    chunk = _B * _KI
    nchunks = e // chunk
    base_trips = nchunks // _NW
    rem = nchunks % _NW
    rps = npad // _NS

    mesh = plsc.VectorSubcoreMesh(core_axis_name="c", subcore_axis_name="s")

    @functools.partial(
        pl.kernel,
        mesh=mesh,
        out_type=jax.ShapeDtypeStruct((_NC, npad, de), jnp.float32),
        scratch_types=[
            pltpu.VMEM((_KI, _B), jnp.int32),
            pltpu.VMEM((chunk, de), jnp.float32),
            pltpu.VMEM_SHARED((npad, de), jnp.float32),
        ],
        compiler_params=pltpu.CompilerParams(use_tc_tiling_on_sc=False),
    )
    def k(idx_hbm, attr_hbm, z_hbm, out_hbm, idx_v, attr_v, agg_sh):
        cid = lax.axis_index("c")
        sid = lax.axis_index("s")
        wid = sid * _NC + cid

        pltpu.sync_copy(z_hbm.at[pl.ds(sid * rps, rps)],
                        agg_sh.at[pl.ds(sid * rps, rps)])
        plsc.subcore_barrier()

        def do_chunk(g):
            pltpu.sync_copy(idx_hbm.at[pl.ds(g * _KI, _KI)], idx_v)
            pltpu.sync_copy(attr_hbm.at[pl.ds(g * chunk, chunk)], attr_v)
            for j in range(_KI):
                pltpu.sync_copy(attr_v.at[pl.ds(j * _B, _B)],
                                agg_sh.at[idx_v.at[j]], add=True)

        @pl.loop(0, base_trips)
        def _(c):
            do_chunk(c * _NW + wid)

        if rem:
            @pl.when(wid < rem)
            def _():
                do_chunk(base_trips * _NW + wid)

        plsc.subcore_barrier()
        pltpu.sync_copy(agg_sh.at[pl.ds(sid * rps, rps)],
                        out_hbm.at[cid, pl.ds(sid * rps, rps)])

    return k(idx2d, attr, zeros)


_BE = 12800


def _tc_attr_relayout(attr_t, b0, nb):
    de, e = attr_t.shape

    def body(x_ref, o_ref):
        g = _LW // de
        seg = _BE // g
        y = x_ref[...].T
        o_ref[...] = jnp.concatenate(
            [y[a * seg:(a + 1) * seg, :] for a in range(g)], axis=1)

    return pl.pallas_call(
        body,
        grid=(nb,),
        in_specs=[pl.BlockSpec((de, _BE), lambda i: (0, i + b0))],
        out_specs=pl.BlockSpec((_BE * de // _LW, _LW), lambda i: (i, 0)),
        out_shape=jax.ShapeDtypeStruct((nb * _BE * de // _LW, _LW),
                                       jnp.float32),
    )(attr_t)


_BN = 1000


def _tc_stats(x, parts1, parts2, w1x, w1a, b1):
    n, f = x.shape
    de = parts1.shape[2]
    h = w1x.shape[1]
    grid = n // _BN

    def body(x_ref, p_ref, q_ref, wx_ref, wa_ref, b_ref, s1_ref, s2_ref):
        agg = (p_ref[0] + p_ref[1]) + (q_ref[0] + q_ref[1])
        hv = jnp.dot(x_ref[...], wx_ref[...], preferred_element_type=jnp.float32)
        hv += jnp.dot(agg, wa_ref[...], preferred_element_type=jnp.float32)
        hv = jnp.maximum(hv + b_ref[...], 0.0)

        @pl.when(pl.program_id(0) == 0)
        def _():
            s1_ref[...] = jnp.zeros_like(s1_ref)
            s2_ref[...] = jnp.zeros_like(s2_ref)

        s1_ref[...] += jnp.sum(hv, axis=0, keepdims=True)
        s2_ref[...] += jnp.sum(hv * hv, axis=0, keepdims=True)

    return pl.pallas_call(
        body,
        grid=(grid,),
        in_specs=[
            pl.BlockSpec((_BN, f), lambda i: (i, 0)),
            pl.BlockSpec((_NC, _BN, de), lambda i: (0, i, 0)),
            pl.BlockSpec((_NC, _BN, de), lambda i: (0, i, 0)),
            pl.BlockSpec((f, h), lambda i: (0, 0)),
            pl.BlockSpec((de, h), lambda i: (0, 0)),
            pl.BlockSpec((1, h), lambda i: (0, 0)),
        ],
        out_specs=[
            pl.BlockSpec((1, h), lambda i: (0, 0)),
            pl.BlockSpec((1, h), lambda i: (0, 0)),
        ],
        out_shape=[jax.ShapeDtypeStruct((1, h), jnp.float32)] * 2,
    )(x, parts1, parts2, w1x, w1a, b1)


def _tc_out(x, parts1, parts2, w1x, w1a, b1, s1, s2, gamma, beta, w2, b2):
    n, f = x.shape
    de = parts1.shape[2]
    h = w1x.shape[1]
    grid = n // _BN
    inv_n = 1.0 / n

    def body(x_ref, p_ref, q_ref, wx_ref, wa_ref, b_ref, s1_ref, s2_ref,
             g_ref, be_ref, w2_ref, b2_ref, o_ref):
        agg = (p_ref[0] + p_ref[1]) + (q_ref[0] + q_ref[1])
        hv = jnp.dot(x_ref[...], wx_ref[...], preferred_element_type=jnp.float32)
        hv += jnp.dot(agg, wa_ref[...], preferred_element_type=jnp.float32)
        hv = jnp.maximum(hv + b_ref[...], 0.0)

        mean = s1_ref[...] * inv_n
        var = s2_ref[...] * inv_n - mean * mean
        scale = g_ref[...] * lax.rsqrt(var + 1e-5)
        shift = be_ref[...] - mean * scale
        hn = hv * scale + shift
        o_ref[...] = jnp.dot(hn, w2_ref[...],
                             preferred_element_type=jnp.float32) + b2_ref[...]

    return pl.pallas_call(
        body,
        grid=(grid,),
        in_specs=[
            pl.BlockSpec((_BN, f), lambda i: (i, 0)),
            pl.BlockSpec((_NC, _BN, de), lambda i: (0, i, 0)),
            pl.BlockSpec((_NC, _BN, de), lambda i: (0, i, 0)),
            pl.BlockSpec((f, h), lambda i: (0, 0)),
            pl.BlockSpec((de, h), lambda i: (0, 0)),
            pl.BlockSpec((1, h), lambda i: (0, 0)),
            pl.BlockSpec((1, h), lambda i: (0, 0)),
            pl.BlockSpec((1, h), lambda i: (0, 0)),
            pl.BlockSpec((1, h), lambda i: (0, 0)),
            pl.BlockSpec((1, h), lambda i: (0, 0)),
            pl.BlockSpec((h, f), lambda i: (0, 0)),
            pl.BlockSpec((1, f), lambda i: (0, 0)),
        ],
        out_specs=pl.BlockSpec((_BN, f), lambda i: (i, 0)),
        out_shape=jax.ShapeDtypeStruct((n, f), jnp.float32),
    )(x, parts1, parts2, w1x, w1a, b1, s1, s2, gamma, beta, w2, b2)


def kernel(x, edge_index, edge_attr, u, batch, W1, b1, gamma, beta, W2, b2):
    n, f = x.shape
    e, de = edge_attr.shape
    h = W1.shape[1]

    npad = ((n + 127) // 128) * 128

    g = _LW // de
    row = edge_index[0]
    idxp = jnp.swapaxes(row.reshape(e // _BE, g, _BE // g), 1, 2).reshape(e)
    zeros = jnp.zeros((npad, de), jnp.float32)
    attr_t = edge_attr.T

    nblk = e // _BE
    nb1 = nblk // 2
    e1 = nb1 * _BE
    e2 = e - e1
    idx2d_1 = idxp[:e1].reshape(e1 // _B, _B)
    idx2d_2 = idxp[e1:].reshape(e2 // _B, _B)

    attr_lin1 = _tc_attr_relayout(attr_t, 0, nb1).reshape(e1, de)
    parts1 = _sc_scatter_partials(idx2d_1, attr_lin1, zeros, e1, de, npad)
    attr_lin2 = _tc_attr_relayout(attr_t, nb1, nblk - nb1).reshape(e2, de)
    parts2 = _sc_scatter_partials(idx2d_2, attr_lin2, zeros, e2, de, npad)

    w1x = W1[:f]
    w1a = W1[f:]
    s1, s2 = _tc_stats(x, parts1, parts2, w1x, w1a, b1.reshape(1, h))
    return _tc_out(x, parts1, parts2, w1x, w1a, b1.reshape(1, h), s1, s2,
                   gamma.reshape(1, h), beta.reshape(1, h),
                   W2, b2.reshape(1, f))

# --- scband reference (transcript-rebuilt; emitter-appended) ---
"""Pipeline reference for scband-node-mlp-latent-5162550689860 (READ-ONLY COPY).

The authoritative reference and input builder live on the scoring server;
editing this copy changes nothing except your own understanding.
"""

import jax, jax.numpy as jnp
import numpy as np

N, E, F, DE, H = 50000, 1600000, 128, 16, 256

def setup_inputs(seed: int = 0) -> dict:
    key = jax.random.key(seed)
    ks = jax.random.split(key, 8)
    x = jax.random.normal(ks[0], (N, F), dtype=jnp.float32)
    edge_index = jax.random.randint(ks[1], (2, E), 0, N, dtype=jnp.int32)
    edge_attr = jax.random.normal(ks[2], (E, DE), dtype=jnp.float32)
    u = jnp.zeros((1, F), dtype=jnp.float32)
    batch = jnp.zeros((N,), dtype=jnp.int32)
    W1 = jax.random.normal(ks[3], (F + DE, H), dtype=jnp.float32) * (1.0 / np.sqrt(F + DE))
    b1 = jnp.zeros((H,), dtype=jnp.float32)
    gamma = jnp.ones((H,), dtype=jnp.float32)
    beta = jnp.zeros((H,), dtype=jnp.float32)
    W2 = jax.random.normal(ks[4], (H, F), dtype=jnp.float32) * (1.0 / np.sqrt(H))
    b2 = jnp.zeros((F,), dtype=jnp.float32)
    return {"x": x, "edge_index": edge_index, "edge_attr": edge_attr, "u": u, "batch": batch,
            "W1": W1, "b1": b1, "gamma": gamma, "beta": beta, "W2": W2, "b2": b2}

def reference(x, edge_index, edge_attr, u, batch, W1, b1, gamma, beta, W2, b2):
    # row, col = edge_index; scatter_add edge_attr by row (src node) into per-node aggregate
    row = edge_index[0]
    agg = jnp.zeros((x.shape[0], edge_attr.shape[1]), dtype=x.dtype).at[row].add(edge_attr)
    out = jnp.concatenate([x, agg], axis=1)
    # node_mlp_1: Linear -> Dropout(p=0, identity) -> ReLU -> BatchNorm(train stats) -> Linear
    h = out @ W1 + b1
    h = jax.nn.relu(h)
    mean = jnp.mean(h, axis=0)
    var = jnp.var(h, axis=0)
    h = (h - mean) / jnp.sqrt(var + 1e-5) * gamma + beta
    return h @ W2 + b2

if __name__ == "__main__":
    import jax
    _d = setup_inputs()
    print(jax.jit(kernel)(*tuple(_d.values())))

</pallas_src>

<mosaic_0001>
#map = affine_map<(d0, d1) -> (0, 0)>
#map1 = affine_map<(d0, d1) -> (0, 0, 0)>
module attributes {stable_mosaic.version = 14 : i64} {
  func.func @k(%arg0: i32, %arg1: i32, %arg2: memref<10080x80xi32, #tpu.memory_space<hbm>>, %arg3: memref<806400x16xf32, #tpu.memory_space<hbm>>, %arg4: memref<50048x16xf32, #tpu.memory_space<hbm>>, %arg5: memref<2x50048x16xf32, #tpu.memory_space<hbm>>, %arg6: memref<8x80xi32, #tpu.memory_space<vmem>>, %arg7: memref<640x16xf32, #tpu.memory_space<vmem>>, %arg8: memref<50048x16xf32, #tpu.memory_space<vmem_shared>>) attributes {dimension_semantics = [#tpu.dimension_semantics<core_parallel>, #tpu.dimension_semantics<subcore_parallel>], iteration_bounds = array<i64: 2, 16>, scalar_prefetch = 0 : i64, scratch_operands = 3 : i64, tpu.core_type = #tpu.core_type<sc_vector_subcore>, window_params = [{transform_indices = #map}, {transform_indices = #map}, {transform_indices = #map}, {transform_indices = #map1}]} {
    %mul3A = arith.constant 2 : i32
    %mul3A_0 = arith.muli %arg1, %mul3A : i32
    %add3A = arith.addi %mul3A_0, %arg0 : i32
    %mul3A_1 = arith.constant 3128 : i32
    %mul3A_2 = arith.muli %arg1, %mul3A_1 : i32
    %mul3A_3 = arith.constant 3128 : i32
    %mul3A_4 = arith.muli %arg1, %mul3A_3 : i32
    "tpu.region"() ({
      %run_scoped3A = tpu.sem_alloc : memref<!tpu.dma_semaphore, #tpu.memory_space<semaphore_mem>>
      %dma_start3A = arith.constant 0 : i32
      %dma_start3A_16 = tpu.memref_slice %arg8[%mul3A_4, %dma_start3A] : memref<50048x16xf32, #tpu.memory_space<vmem_shared>> -> memref<3128x16xf32, #tpu.memory_space<vmem_shared>>
      %dma_start3A_17 = arith.constant 0 : i32
      %dma_start3A_18 = tpu.memref_slice %arg4[%mul3A_2, %dma_start3A_17] : memref<50048x16xf32, #tpu.memory_space<hbm>> -> memref<3128x16xf32, #tpu.memory_space<hbm>>
      tpu.enqueue_dma source(%dma_start3A_18 : memref<3128x16xf32, #tpu.memory_space<hbm>>) target(%dma_start3A_16 : memref<3128x16xf32, #tpu.memory_space<vmem_shared>>) target_semaphore(%run_scoped3A : memref<!tpu.dma_semaphore, #tpu.memory_space<semaphore_mem>>)
      %dma_wait3A = arith.constant 0 : i32
      %dma_wait3A_19 = tpu.memref_slice %arg8[%mul3A_4, %dma_wait3A] : memref<50048x16xf32, #tpu.memory_space<vmem_shared>> -> memref<3128x16xf32, #tpu.memory_space<vmem_shared>>
      %dma_wait3A_20 = arith.constant 0 : i32
      %dma_wait3A_21 = tpu.memref_slice %arg4[%mul3A_2, %dma_wait3A_20] : memref<50048x16xf32, #tpu.memory_space<hbm>> -> memref<3128x16xf32, #tpu.memory_space<hbm>>
      tpu.wait_dma2 semaphore(%run_scoped3A : memref<!tpu.dma_semaphore, #tpu.memory_space<semaphore_mem>>) src(%dma_wait3A_21 : memref<3128x16xf32, #tpu.memory_space<hbm>>) dst(%dma_wait3A_19 : memref<3128x16xf32, #tpu.memory_space<vmem_shared>>)
      tpu.yield
    }) : () -> ()
    %barrier3A = arith.constant 0 : index
    tpu.barrier barrier_id(%barrier3A)
    %scan3A = arith.constant 0 : i32
    %scan3A_5 = arith.constant 39 : i32
    %scan3A_6 = arith.addi %scan3A, %scan3A_5 : i32
    %scan3A_7 = arith.constant 1 : i32
    scf.for %scan3A_16 = %scan3A to %scan3A_6 step %scan3A_7  : i32 {
      %mul3A_17 = arith.constant 1 : i32
      %mul3A_18 = arith.muli %scan3A_16, %mul3A_17 : i32
      %add3A_19 = arith.constant 0 : i32
      %add3A_20 = arith.addi %add3A_19, %mul3A_18 : i32
      %mul3A_21 = arith.constant 32 : i32
      %mul3A_22 = arith.muli %add3A_20, %mul3A_21 : i32
      %add3A_23 = arith.addi %mul3A_22, %add3A : i32
      %mul3A_24 = arith.constant 8 : i32
      %mul3A_25 = arith.muli %add3A_23, %mul3A_24 : i32
      "tpu.region"() ({
        %run_scoped3A_35 = tpu.sem_alloc : memref<!tpu.dma_semaphore, #tpu.memory_space<semaphore_mem>>
        %dma_start3A = arith.constant 0 : i32
        %dma_start3A_36 = tpu.memref_slice %arg2[%mul3A_25, %dma_start3A] : memref<10080x80xi32, #tpu.memory_space<hbm>> -> memref<8x80xi32, #tpu.memory_space<hbm>>
        %dma_start3A_37 = arith.constant 0 : i32
        %dma_start3A_38 = tpu.memref_slice %arg2[%mul3A_25, %dma_start3A_37] : memref<10080x80xi32, #tpu.memory_space<hbm>> -> memref<8x80xi32, #tpu.memory_space<hbm>>
        tpu.enqueue_dma source(%dma_start3A_38 : memref<8x80xi32, #tpu.memory_space<hbm>>) target(%arg6 : memref<8x80xi32, #tpu.memory_space<vmem>>) target_semaphore(%run_scoped3A_35 : memref<!tpu.dma_semaphore, #tpu.memory_space<semaphore_mem>>)
        %dma_wait3A = arith.constant 0 : i32
        %dma_wait3A_39 = tpu.memref_slice %arg2[%mul3A_25, %dma_wait3A] : memref<10080x80xi32, #tpu.memory_space<hbm>> -> memref<8x80xi32, #tpu.memory_space<hbm>>
        %dma_wait3A_40 = arith.constant 0 : i32
        %dma_wait3A_41 = tpu.memref_slice %arg2[%mul3A_25, %dma_wait3A_40] : memref<10080x80xi32, #tpu.memory_space<hbm>> -> memref<8x80xi32, #tpu.memory_space<hbm>>
        tpu.wait_dma2 semaphore(%run_scoped3A_35 : memref<!tpu.dma_semaphore, #tpu.memory_space<semaphore_mem>>) src(%dma_wait3A_41 : memref<8x80xi32, #tpu.memory_space<hbm>>) dst(%arg6 : memref<8x80xi32, #tpu.memory_space<vmem>>)
        tpu.yield
      }) : () -> ()
      %mul3A_26 = arith.constant 640 : i32
      %mul3A_27 = arith.muli %add3A_23, %mul3A_26 : i32
      "tpu.region"() ({
        %run_scoped3A_35 = tpu.sem_alloc : memref<!tpu.dma_semaphore, #tpu.memory_space<semaphore_mem>>
        %dma_start3A = arith.constant 0 : i32
        %dma_start3A_36 = tpu.memref_slice %arg3[%mul3A_27, %dma_start3A] : memref<806400x16xf32, #tpu.memory_space<hbm>> -> memref<640x16xf32, #tpu.memory_space<hbm>>
        %dma_start3A_37 = arith.constant 0 : i32
        %dma_start3A_38 = tpu.memref_slice %arg3[%mul3A_27, %dma_start3A_37] : memref<806400x16xf32, #tpu.memory_space<hbm>> -> memref<640x16xf32, #tpu.memory_space<hbm>>
        tpu.enqueue_dma source(%dma_start3A_38 : memref<640x16xf32, #tpu.memory_space<hbm>>) target(%arg7 : memref<640x16xf32, #tpu.memory_space<vmem>>) target_semaphore(%run_scoped3A_35 : memref<!tpu.dma_semaphore, #tpu.memory_space<semaphore_mem>>)
        %dma_wait3A = arith.constant 0 : i32
        %dma_wait3A_39 = tpu.memref_slice %arg3[%mul3A_27, %dma_wait3A] : memref<806400x16xf32, #tpu.memory_space<hbm>> -> memref<640x16xf32, #tpu.memory_space<hbm>>
        %dma_wait3A_40 = arith.constant 0 : i32
        %dma_wait3A_41 = tpu.memref_slice %arg3[%mul3A_27, %dma_wait3A_40] : memref<806400x16xf32, #tpu.memory_space<hbm>> -> memref<640x16xf32, #tpu.memory_space<hbm>>
        tpu.wait_dma2 semaphore(%run_scoped3A_35 : memref<!tpu.dma_semaphore, #tpu.memory_space<semaphore_mem>>) src(%dma_wait3A_41 : memref<640x16xf32, #tpu.memory_space<hbm>>) dst(%arg7 : memref<640x16xf32, #tpu.memory_space<vmem>>)
        tpu.yield
      }) : () -> ()
      %run_scoped3A = arith.constant 0 : i32
      "tpu.region"() ({
        %run_scoped3A_35 = tpu.sem_alloc : memref<!tpu.dma_semaphore, #tpu.memory_space<semaphore_mem>>
        %dma_start3A = arith.constant 0 : i32
        %dma_start3A_36 = arith.constant 0 : i32
        %dma_start3A_37 = tpu.memref_slice %arg7[%dma_start3A, %dma_start3A_36] : memref<640x16xf32, #tpu.memory_space<vmem>> -> memref<80x16xf32, #tpu.memory_space<vmem>>
        %dma_start3A_38 = arith.constant 0 : i32
        %dma_start3A_39 = tpu.memref_slice %arg6[%run_scoped3A, %dma_start3A_38] : memref<8x80xi32, #tpu.memory_space<vmem>> -> memref<1x80xi32, #tpu.memory_space<vmem>>
        %dma_start3A_40 = tpu.memref_squeeze %dma_start3A_39 : memref<1x80xi32, #tpu.memory_space<vmem>> -> memref<80xi32, #tpu.memory_space<vmem>>
        %dma_start3A_41 = arith.constant 0 : i32
        %dma_start3A_42 = arith.constant 0 : i32
        %dma_start3A_43 = tpu.memref_slice %arg8[%dma_start3A_41, %dma_start3A_42] : memref<50048x16xf32, #tpu.memory_space<vmem_shared>> -> memref<50048x16xf32, #tpu.memory_space<vmem_shared>>
        tpu.enqueue_indirect_dma source(%dma_start3A_37 : memref<80x16xf32, #tpu.memory_space<vmem>>) target(%dma_start3A_43 : memref<50048x16xf32, #tpu.memory_space<vmem_shared>>) offsets(%dma_start3A_40 : memref<80xi32, #tpu.memory_space<vmem>>) semaphore(%run_scoped3A_35 : memref<!tpu.dma_semaphore, #tpu.memory_space<semaphore_mem>>) {add = true}
        %dma_wait3A = arith.constant 0 : i32
        %dma_wait3A_44 = arith.constant 0 : i32
        %dma_wait3A_45 = tpu.memref_slice %arg7[%dma_wait3A, %dma_wait3A_44] : memref<640x16xf32, #tpu.memory_space<vmem>> -> memref<80x16xf32, #tpu.memory_space<vmem>>
        %dma_wait3A_46 = arith.constant 0 : i32
        %dma_wait3A_47 = tpu.memref_slice %arg6[%run_scoped3A, %dma_wait3A_46] : memref<8x80xi32, #tpu.memory_space<vmem>> -> memref<1x80xi32, #tpu.memory_space<vmem>>
        %dma_wait3A_48 = tpu.memref_squeeze %dma_wait3A_47 : memref<1x80xi32, #tpu.memory_space<vmem>> -> memref<80xi32, #tpu.memory_space<vmem>>
        %dma_wait3A_49 = arith.constant 0 : i32
        %dma_wait3A_50 = arith.constant 0 : i32
        %dma_wait3A_51 = tpu.memref_slice %arg8[%dma_wait3A_49, %dma_wait3A_50] : memref<50048x16xf32, #tpu.memory_space<vmem_shared>> -> memref<50048x16xf32, #tpu.memory_space<vmem_shared>>
        tpu.wait_indirect_dma semaphore(%run_scoped3A_35 : memref<!tpu.dma_semaphore, #tpu.memory_space<semaphore_mem>>) src(%dma_wait3A_45 : memref<80x16xf32, #tpu.memory_space<vmem>>) dst(%dma_wait3A_51 : memref<50048x16xf32, #tpu.memory_space<vmem_shared>>)
        tpu.yield
      }) : () -> ()
      %run_scoped3A_28 = arith.constant 1 : i32
      "tpu.region"() ({
        %run_scoped3A_35 = tpu.sem_alloc : memref<!tpu.dma_semaphore, #tpu.memory_space<semaphore_mem>>
        %dma_start3A = arith.constant 80 : i32
        %dma_start3A_36 = arith.constant 0 : i32
        %dma_start3A_37 = tpu.memref_slice %arg7[%dma_start3A, %dma_start3A_36] : memref<640x16xf32, #tpu.memory_space<vmem>> -> memref<80x16xf32, #tpu.memory_space<vmem>>
        %dma_start3A_38 = arith.constant 0 : i32
        %dma_start3A_39 = tpu.memref_slice %arg6[%run_scoped3A_28, %dma_start3A_38] : memref<8x80xi32, #tpu.memory_space<vmem>> -> memref<1x80xi32, #tpu.memory_space<vmem>>
        %dma_start3A_40 = tpu.memref_squeeze %dma_start3A_39 : memref<1x80xi32, #tpu.memory_space<vmem>> -> memref<80xi32, #tpu.memory_space<vmem>>
        %dma_start3A_41 = arith.constant 0 : i32
        %dma_start3A_42 = arith.constant 0 : i32
        %dma_start3A_43 = tpu.memref_slice %arg8[%dma_start3A_41, %dma_start3A_42] : memref<50048x16xf32, #tpu.memory_space<vmem_shared>> -> memref<50048x16xf32, #tpu.memory_space<vmem_shared>>
        tpu.enqueue_indirect_dma source(%dma_start3A_37 : memref<80x16xf32, #tpu.memory_space<vmem>>) target(%dma_start3A_43 : memref<50048x16xf32, #tpu.memory_space<vmem_shared>>) offsets(%dma_start3A_40 : memref<80xi32, #tpu.memory_space<vmem>>) semaphore(%run_scoped3A_35 : memref<!tpu.dma_semaphore, #tpu.memory_space<semaphore_mem>>) {add = true}
        %dma_wait3A = arith.constant 80 : i32
        %dma_wait3A_44 = arith.constant 0 : i32
        %dma_wait3A_45 = tpu.memref_slice %arg7[%dma_wait3A, %dma_wait3A_44] : memref<640x16xf32, #tpu.memory_space<vmem>> -> memref<80x16xf32, #tpu.memory_space<vmem>>
        %dma_wait3A_46 = arith.constant 0 : i32
        %dma_wait3A_47 = tpu.memref_slice %arg6[%run_scoped3A_28, %dma_wait3A_46] : memref<8x80xi32, #tpu.memory_space<vmem>> -> memref<1x80xi32, #tpu.memory_space<vmem>>
        %dma_wait3A_48 = tpu.memref_squeeze %dma_wait3A_47 : memref<1x80xi32, #tpu.memory_space<vmem>> -> memref<80xi32, #tpu.memory_space<vmem>>
        %dma_wait3A_49 = arith.constant 0 : i32
        %dma_wait3A_50 = arith.constant 0 : i32
        %dma_wait3A_51 = tpu.memref_slice %arg8[%dma_wait3A_49, %dma_wait3A_50] : memref<50048x16xf32, #tpu.memory_space<vmem_shared>> -> memref<50048x16xf32, #tpu.memory_space<vmem_shared>>
        tpu.wait_indirect_dma semaphore(%run_scoped3A_35 : memref<!tpu.dma_semaphore, #tpu.memory_space<semaphore_mem>>) src(%dma_wait3A_45 : memref<80x16xf32, #tpu.memory_space<vmem>>) dst(%dma_wait3A_51 : memref<50048x16xf32, #tpu.memory_space<vmem_shared>>)
        tpu.yield
      }) : () -> ()
      %run_scoped3A_29 = arith.constant 2 : i32
      "tpu.region"() ({
        %run_scoped3A_35 = tpu.sem_alloc : memref<!tpu.dma_semaphore, #tpu.memory_space<semaphore_mem>>
        %dma_start3A = arith.constant 160 : i32
        %dma_start3A_36 = arith.constant 0 : i32
        %dma_start3A_37 = tpu.memref_slice %arg7[%dma_start3A, %dma_start3A_36] : memref<640x16xf32, #tpu.memory_space<vmem>> -> memref<80x16xf32, #tpu.memory_space<vmem>>
        %dma_start3A_38 = arith.constant 0 : i32
        %dma_start3A_39 = tpu.memref_slice %arg6[%run_scoped3A_29, %dma_start3A_38] : memref<8x80xi32, #tpu.memory_space<vmem>> -> memref<1x80xi32, #tpu.memory_space<vmem>>
        %dma_start3A_40 = tpu.memref_squeeze %dma_start3A_39 : memref<1x80xi32, #tpu.memory_space<vmem>> -> memref<80xi32, #tpu.memory_space<vmem>>
        %dma_start3A_41 = arith.constant 0 : i32
        %dma_start3A_42 = arith.constant 0 : i32
        %dma_start3A_43 = tpu.memref_slice %arg8[%dma_start3A_41, %dma_start3A_42] : memref<50048x16xf32, #tpu.memory_space<vmem_shared>> -> memref<50048x16xf32, #tpu.memory_space<vmem_shared>>
        tpu.enqueue_indirect_dma source(%dma_start3A_37 : memref<80x16xf32, #tpu.memory_space<vmem>>) target(%dma_start3A_43 : memref<50048x16xf32, #tpu.memory_space<vmem_shared>>) offsets(%dma_start3A_40 : memref<80xi32, #tpu.memory_space<vmem>>) semaphore(%run_scoped3A_35 : memref<!tpu.dma_semaphore, #tpu.memory_space<semaphore_mem>>) {add = true}
        %dma_wait3A = arith.constant 160 : i32
        %dma_wait3A_44 = arith.constant 0 : i32
        %dma_wait3A_45 = tpu.memref_slice %arg7[%dma_wait3A, %dma_wait3A_44] : memref<640x16xf32, #tpu.memory_space<vmem>> -> memref<80x16xf32, #tpu.memory_space<vmem>>
        %dma_wait3A_46 = arith.constant 0 : i32
        %dma_wait3A_47 = tpu.memref_slice %arg6[%run_scoped3A_29, %dma_wait3A_46] : memref<8x80xi32, #tpu.memory_space<vmem>> -> memref<1x80xi32, #tpu.memory_space<vmem>>
        %dma_wait3A_48 = tpu.memref_squeeze %dma_wait3A_47 : memref<1x80xi32, #tpu.memory_space<vmem>> -> memref<80xi32, #tpu.memory_space<vmem>>
        %dma_wait3A_49 = arith.constant 0 : i32
        %dma_wait3A_50 = arith.constant 0 : i32
        %dma_wait3A_51 = tpu.memref_slice %arg8[%dma_wait3A_49, %dma_wait3A_50] : memref<50048x16xf32, #tpu.memory_space<vmem_shared>> -> memref<50048x16xf32, #tpu.memory_space<vmem_shared>>
        tpu.wait_indirect_dma semaphore(%run_scoped3A_35 : memref<!tpu.dma_semaphore, #tpu.memory_space<semaphore_mem>>) src(%dma_wait3A_45 : memref<80x16xf32, #tpu.memory_space<vmem>>) dst(%dma_wait3A_51 : memref<50048x16xf32, #tpu.memory_space<vmem_shared>>)
        tpu.yield
      }) : () -> ()
      %run_scoped3A_30 = arith.constant 3 : i32
      "tpu.region"() ({
        %run_scoped3A_35 = tpu.sem_alloc : memref<!tpu.dma_semaphore, #tpu.memory_space<semaphore_mem>>
        %dma_start3A = arith.constant 240 : i32
        %dma_start3A_36 = arith.constant 0 : i32
        %dma_start3A_37 = tpu.memref_slice %arg7[%dma_start3A, %dma_start3A_36] : memref<640x16xf32, #tpu.memory_space<vmem>> -> memref<80x16xf32, #tpu.memory_space<vmem>>
        %dma_start3A_38 = arith.constant 0 : i32
        %dma_start3A_39 = tpu.memref_slice %arg6[%run_scoped3A_30, %dma_start3A_38] : memref<8x80xi32, #tpu.memory_space<vmem>> -> memref<1x80xi32, #tpu.memory_space<vmem>>
        %dma_start3A_40 = tpu.memref_squeeze %dma_start3A_39 : memref<1x80xi32, #tpu.memory_space<vmem>> -> memref<80xi32, #tpu.memory_space<vmem>>
        %dma_start3A_41 = arith.constant 0 : i32
        %dma_start3A_42 = arith.constant 0 : i32
        %dma_start3A_43 = tpu.memref_slice %arg8[%dma_start3A_41, %dma_start3A_42] : memref<50048x16xf32, #tpu.memory_space<vmem_shared>> -> memref<50048x16xf32, #tpu.memory_space<vmem_shared>>
        tpu.enqueue_indirect_dma source(%dma_start3A_37 : memref<80x16xf32, #tpu.memory_space<vmem>>) target(%dma_start3A_43 : memref<50048x16xf32, #tpu.memory_space<vmem_shared>>) offsets(%dma_start3A_40 : memref<80xi32, #tpu.memory_space<vmem>>) semaphore(%run_scoped3A_35 : memref<!tpu.dma_semaphore, #tpu.memory_space<semaphore_mem>>) {add = true}
        %dma_wait3A = arith.constant 240 : i32
        %dma_wait3A_44 = arith.constant 0 : i32
        %dma_wait3A_45 = tpu.memref_slice %arg7[%dma_wait3A, %dma_wait3A_44] : memref<640x16xf32, #tpu.memory_space<vmem>> -> memref<80x16xf32, #tpu.memory_space<vmem>>
        %dma_wait3A_46 = arith.constant 0 : i32
        %dma_wait3A_47 = tpu.memref_slice %arg6[%run_scoped3A_30, %dma_wait3A_46] : memref<8x80xi32, #tpu.memory_space<vmem>> -> memref<1x80xi32, #tpu.memory_space<vmem>>
        %dma_wait3A_48 = tpu.memref_squeeze %dma_wait3A_47 : memref<1x80xi32, #tpu.memory_space<vmem>> -> memref<80xi32, #tpu.memory_space<vmem>>
        %dma_wait3A_49 = arith.constant 0 : i32
        %dma_wait3A_50 = arith.constant 0 : i32
        %dma_wait3A_51 = tpu.memref_slice %arg8[%dma_wait3A_49, %dma_wait3A_50] : memref<50048x16xf32, #tpu.memory_space<vmem_shared>> -> memref<50048x16xf32, #tpu.memory_space<vmem_shared>>
        tpu.wait_indirect_dma semaphore(%run_scoped3A_35 : memref<!tpu.dma_semaphore, #tpu.memory_space<semaphore_mem>>) src(%dma_wait3A_45 : memref<80x16xf32, #tpu.memory_space<vmem>>) dst(%dma_wait3A_51 : memref<50048x16xf32, #tpu.memory_space<vmem_shared>>)
        tpu.yield
      }) : () -> ()
      %run_scoped3A_31 = arith.constant 4 : i32
      "tpu.region"() ({
        %run_scoped3A_35 = tpu.sem_alloc : memref<!tpu.dma_semaphore, #tpu.memory_space<semaphore_mem>>
        %dma_start3A = arith.constant 320 : i32
        %dma_start3A_36 = arith.constant 0 : i32
        %dma_start3A_37 = tpu.memref_slice %arg7[%dma_start3A, %dma_start3A_36] : memref<640x16xf32, #tpu.memory_space<vmem>> -> memref<80x16xf32, #tpu.memory_space<vmem>>
        %dma_start3A_38 = arith.constant 0 : i32
        %dma_start3A_39 = tpu.memref_slice %arg6[%run_scoped3A_31, %dma_start3A_38] : memref<8x80xi32, #tpu.memory_space<vmem>> -> memref<1x80xi32, #tpu.memory_space<vmem>>
        %dma_start3A_40 = tpu.memref_squeeze %dma_start3A_39 : memref<1x80xi32, #tpu.memory_space<vmem>> -> memref<80xi32, #tpu.memory_space<vmem>>
        %dma_start3A_41 = arith.constant 0 : i32
        %dma_start3A_42 = arith.constant 0 : i32
        %dma_start3A_43 = tpu.memref_slice %arg8[%dma_start3A_41, %dma_start3A_42] : memref<50048x16xf32, #tpu.memory_space<vmem_shared>> -> memref<50048x16xf32, #tpu.memory_space<vmem_shared>>
        tpu.enqueue_indirect_dma source(%dma_start3A_37 : memref<80x16xf32, #tpu.memory_space<vmem>>) target(%dma_start3A_43 : memref<50048x16xf32, #tpu.memory_space<vmem_shared>>) offsets(%dma_start3A_40 : memref<80xi32, #tpu.memory_space<vmem>>) semaphore(%run_scoped3A_35 : memref<!tpu.dma_semaphore, #tpu.memory_space<semaphore_mem>>) {add = true}
        %dma_wait3A = arith.constant 320 : i32
        %dma_wait3A_44 = arith.constant 0 : i32
        %dma_wait3A_45 = tpu.memref_slice %arg7[%dma_wait3A, %dma_wait3A_44] : memref<640x16xf32, #tpu.memory_space<vmem>> -> memref<80x16xf32, #tpu.memory_space<vmem>>
        %dma_wait3A_46 = arith.constant 0 : i32
        %dma_wait3A_47 = tpu.memref_slice %arg6[%run_scoped3A_31, %dma_wait3A_46] : memref<8x80xi32, #tpu.memory_space<vmem>> -> memref<1x80xi32, #tpu.memory_space<vmem>>
        %dma_wait3A_48 = tpu.memref_squeeze %dma_wait3A_47 : memref<1x80xi32, #tpu.memory_space<vmem>> -> memref<80xi32, #tpu.memory_space<vmem>>
        %dma_wait3A_49 = arith.constant 0 : i32
        %dma_wait3A_50 = arith.constant 0 : i32
        %dma_wait3A_51 = tpu.memref_slice %arg8[%dma_wait3A_49, %dma_wait3A_50] : memref<50048x16xf32, #tpu.memory_space<vmem_shared>> -> memref<50048x16xf32, #tpu.memory_space<vmem_shared>>
        tpu.wait_indirect_dma semaphore(%run_scoped3A_35 : memref<!tpu.dma_semaphore, #tpu.memory_space<semaphore_mem>>) src(%dma_wait3A_45 : memref<80x16xf32, #tpu.memory_space<vmem>>) dst(%dma_wait3A_51 : memref<50048x16xf32, #tpu.memory_space<vmem_shared>>)
        tpu.yield
      }) : () -> ()
      %run_scoped3A_32 = arith.constant 5 : i32
      "tpu.region"() ({
        %run_scoped3A_35 = tpu.sem_alloc : memref<!tpu.dma_semaphore, #tpu.memory_space<semaphore_mem>>
        %dma_start3A = arith.constant 400 : i32
        %dma_start3A_36 = arith.constant 0 : i32
        %dma_start3A_37 = tpu.memref_slice %arg7[%dma_start3A, %dma_start3A_36] : memref<640x16xf32, #tpu.memory_space<vmem>> -> memref<80x16xf32, #tpu.memory_space<vmem>>
        %dma_start3A_38 = arith.constant 0 : i32
        %dma_start3A_39 = tpu.memref_slice %arg6[%run_scoped3A_32, %dma_start3A_38] : memref<8x80xi32, #tpu.memory_space<vmem>> -> memref<1x80xi32, #tpu.memory_space<vmem>>
        %dma_start3A_40 = tpu.memref_squeeze %dma_start3A_39 : memref<1x80xi32, #tpu.memory_space<vmem>> -> memref<80xi32, #tpu.memory_space<vmem>>
        %dma_start3A_41 = arith.constant 0 : i32
        %dma_start3A_42 = arith.constant 0 : i32
        %dma_start3A_43 = tpu.memref_slice %arg8[%dma_start3A_41, %dma_start3A_42] : memref<50048x16xf32, #tpu.memory_space<vmem_shared>> -> memref<50048x16xf32, #tpu.memory_space<vmem_shared>>
        tpu.enqueue_indirect_dma source(%dma_start3A_37 : memref<80x16xf32, #tpu.memory_space<vmem>>) target(%dma_start3A_43 : memref<50048x16xf32, #tpu.memory_space<vmem_shared>>) offsets(%dma_start3A_40 : memref<80xi32, #tpu.memory_space<vmem>>) semaphore(%run_scoped3A_35 : memref<!tpu.dma_semaphore, #tpu.memory_space<semaphore_mem>>) {add = true}
        %dma_wait3A = arith.constant 400 : i32
        %dma_wait3A_44 = arith.constant 0 : i32
        %dma_wait3A_45 = tpu.memref_slice %arg7[%dma_wait3A, %dma_wait3A_44] : memref<640x16xf32, #tpu.memory_space<vmem>> -> memref<80x16xf32, #tpu.memory_space<vmem>>
        %dma_wait3A_46 = arith.constant 0 : i32
        %dma_wait3A_47 = tpu.memref_slice %arg6[%run_scoped3A_32, %dma_wait3A_46] : memref<8x80xi32, #tpu.memory_space<vmem>> -> memref<1x80xi32, #tpu.memory_space<vmem>>
        %dma_wait3A_48 = tpu.memref_squeeze %dma_wait3A_47 : memref<1x80xi32, #tpu.memory_space<vmem>> -> memref<80xi32, #tpu.memory_space<vmem>>
        %dma_wait3A_49 = arith.constant 0 : i32
        %dma_wait3A_50 = arith.constant 0 : i32
        %dma_wait3A_51 = tpu.memref_slice %arg8[%dma_wait3A_49, %dma_wait3A_50] : memref<50048x16xf32, #tpu.memory_space<vmem_shared>> -> memref<50048x16xf32, #tpu.memory_space<vmem_shared>>
        tpu.wait_indirect_dma semaphore(%run_scoped3A_35 : memref<!tpu.dma_semaphore, #tpu.memory_space<semaphore_mem>>) src(%dma_wait3A_45 : memref<80x16xf32, #tpu.memory_space<vmem>>) dst(%dma_wait3A_51 : memref<50048x16xf32, #tpu.memory_space<vmem_shared>>)
        tpu.yield
      }) : () -> ()
      %run_scoped3A_33 = arith.constant 6 : i32
      "tpu.region"() ({
        %run_scoped3A_35 = tpu.sem_alloc : memref<!tpu.dma_semaphore, #tpu.memory_space<semaphore_mem>>
        %dma_start3A = arith.constant 480 : i32
        %dma_start3A_36 = arith.constant 0 : i32
        %dma_start3A_37 = tpu.memref_slice %arg7[%dma_start3A, %dma_start3A_36] : memref<640x16xf32, #tpu.memory_space<vmem>> -> memref<80x16xf32, #tpu.memory_space<vmem>>
        %dma_start3A_38 = arith.constant 0 : i32
        %dma_start3A_39 = tpu.memref_slice %arg6[%run_scoped3A_33, %dma_start3A_38] : memref<8x80xi32, #tpu.memory_space<vmem>> -> memref<1x80xi32, #tpu.memory_space<vmem>>
        %dma_start3A_40 = tpu.memref_squeeze %dma_start3A_39 : memref<1x80xi32, #tpu.memory_space<vmem>> -> memref<80xi32, #tpu.memory_space<vmem>>
        %dma_start3A_41 = arith.constant 0 : i32
        %dma_start3A_42 = arith.constant 0 : i32
        %dma_start3A_43 = tpu.memref_slice %arg8[%dma_start3A_41, %dma_start3A_42] : memref<50048x16xf32, #tpu.memory_space<vmem_shared>> -> memref<50048x16xf32, #tpu.memory_space<vmem_shared>>
        tpu.enqueue_indirect_dma source(%dma_start3A_37 : memref<80x16xf32, #tpu.memory_space<vmem>>) target(%dma_start3A_43 : memref<50048x16xf32, #tpu.memory_space<vmem_shared>>) offsets(%dma_start3A_40 : memref<80xi32, #tpu.memory_space<vmem>>) semaphore(%run_scoped3A_35 : memref<!tpu.dma_semaphore, #tpu.memory_space<semaphore_mem>>) {add = true}
        %dma_wait3A = arith.constant 480 : i32
        %dma_wait3A_44 = arith.constant 0 : i32
        %dma_wait3A_45 = tpu.memref_slice %arg7[%dma_wait3A, %dma_wait3A_44] : memref<640x16xf32, #tpu.memory_space<vmem>> -> memref<80x16xf32, #tpu.memory_space<vmem>>
        %dma_wait3A_46 = arith.constant 0 : i32
        %dma_wait3A_47 = tpu.memref_slice %arg6[%run_scoped3A_33, %dma_wait3A_46] : memref<8x80xi32, #tpu.memory_space<vmem>> -> memref<1x80xi32, #tpu.memory_space<vmem>>
        %dma_wait3A_48 = tpu.memref_squeeze %dma_wait3A_47 : memref<1x80xi32, #tpu.memory_space<vmem>> -> memref<80xi32, #tpu.memory_space<vmem>>
        %dma_wait3A_49 = arith.constant 0 : i32
        %dma_wait3A_50 = arith.constant 0 : i32
        %dma_wait3A_51 = tpu.memref_slice %arg8[%dma_wait3A_49, %dma_wait3A_50] : memref<50048x16xf32, #tpu.memory_space<vmem_shared>> -> memref<50048x16xf32, #tpu.memory_space<vmem_shared>>
        tpu.wait_indirect_dma semaphore(%run_scoped3A_35 : memref<!tpu.dma_semaphore, #tpu.memory_space<semaphore_mem>>) src(%dma_wait3A_45 : memref<80x16xf32, #tpu.memory_space<vmem>>) dst(%dma_wait3A_51 : memref<50048x16xf32, #tpu.memory_space<vmem_shared>>)
        tpu.yield
      }) : () -> ()
      %run_scoped3A_34 = arith.constant 7 : i32
      "tpu.region"() ({
        %run_scoped3A_35 = tpu.sem_alloc : memref<!tpu.dma_semaphore, #tpu.memory_space<semaphore_mem>>
        %dma_start3A = arith.constant 560 : i32
        %dma_start3A_36 = arith.constant 0 : i32
        %dma_start3A_37 = tpu.memref_slice %arg7[%dma_start3A, %dma_start3A_36] : memref<640x16xf32, #tpu.memory_space<vmem>> -> memref<80x16xf32, #tpu.memory_space<vmem>>
        %dma_start3A_38 = arith.constant 0 : i32
        %dma_start3A_39 = tpu.memref_slice %arg6[%run_scoped3A_34, %dma_start3A_38] : memref<8x80xi32, #tpu.memory_space<vmem>> -> memref<1x80xi32, #tpu.memory_space<vmem>>
        %dma_start3A_40 = tpu.memref_squeeze %dma_start3A_39 : memref<1x80xi32, #tpu.memory_space<vmem>> -> memref<80xi32, #tpu.memory_space<vmem>>
        %dma_start3A_41 = arith.constant 0 : i32
        %dma_start3A_42 = arith.constant 0 : i32
        %dma_start3A_43 = tpu.memref_slice %arg8[%dma_start3A_41, %dma_start3A_42] : memref<50048x16xf32, #tpu.memory_space<vmem_shared>> -> memref<50048x16xf32, #tpu.memory_space<vmem_shared>>
        tpu.enqueue_indirect_dma source(%dma_start3A_37 : memref<80x16xf32, #tpu.memory_space<vmem>>) target(%dma_start3A_43 : memref<50048x16xf32, #tpu.memory_space<vmem_shared>>) offsets(%dma_start3A_40 : memref<80xi32, #tpu.memory_space<vmem>>) semaphore(%run_scoped3A_35 : memref<!tpu.dma_semaphore, #tpu.memory_space<semaphore_mem>>) {add = true}
        %dma_wait3A = arith.constant 560 : i32
        %dma_wait3A_44 = arith.constant 0 : i32
        %dma_wait3A_45 = tpu.memref_slice %arg7[%dma_wait3A, %dma_wait3A_44] : memref<640x16xf32, #tpu.memory_space<vmem>> -> memref<80x16xf32, #tpu.memory_space<vmem>>
        %dma_wait3A_46 = arith.constant 0 : i32
        %dma_wait3A_47 = tpu.memref_slice %arg6[%run_scoped3A_34, %dma_wait3A_46] : memref<8x80xi32, #tpu.memory_space<vmem>> -> memref<1x80xi32, #tpu.memory_space<vmem>>
        %dma_wait3A_48 = tpu.memref_squeeze %dma_wait3A_47 : memref<1x80xi32, #tpu.memory_space<vmem>> -> memref<80xi32, #tpu.memory_space<vmem>>
        %dma_wait3A_49 = arith.constant 0 : i32
        %dma_wait3A_50 = arith.constant 0 : i32
        %dma_wait3A_51 = tpu.memref_slice %arg8[%dma_wait3A_49, %dma_wait3A_50] : memref<50048x16xf32, #tpu.memory_space<vmem_shared>> -> memref<50048x16xf32, #tpu.memory_space<vmem_shared>>
        tpu.wait_indirect_dma semaphore(%run_scoped3A_35 : memref<!tpu.dma_semaphore, #tpu.memory_space<semaphore_mem>>) src(%dma_wait3A_45 : memref<80x16xf32, #tpu.memory_space<vmem>>) dst(%dma_wait3A_51 : memref<50048x16xf32, #tpu.memory_space<vmem_shared>>)
        tpu.yield
      }) : () -> ()
    }
    %scan3A_8 = arith.constant 39 : i32
    %lt3A = arith.constant 12 : i32
    %lt3A_9 = arith.cmpi slt, %add3A, %lt3A : i32
    %convert_element_type3A = arith.extui %lt3A_9 : i1 to i32
    %cond3A = arith.constant 0 : i32
    %cond3A_10 = arith.cmpi ne, %convert_element_type3A, %cond3A : i32
    scf.if %cond3A_10 {
      %add3A_16 = arith.constant 1248 : i32
      %add3A_17 = arith.addi %add3A_16, %add3A : i32
      %mul3A_18 = arith.constant 8 : i32
      %mul3A_19 = arith.muli %add3A_17, %mul3A_18 : i32
      "tpu.region"() ({
        %run_scoped3A_29 = tpu.sem_alloc : memref<!tpu.dma_semaphore, #tpu.memory_space<semaphore_mem>>
        %dma_start3A = arith.constant 0 : i32
        %dma_start3A_30 = tpu.memref_slice %arg2[%mul3A_19, %dma_start3A] : memref<10080x80xi32, #tpu.memory_space<hbm>> -> memref<8x80xi32, #tpu.memory_space<hbm>>
        %dma_start3A_31 = arith.constant 0 : i32
        %dma_start3A_32 = tpu.memref_slice %arg2[%mul3A_19, %dma_start3A_31] : memref<10080x80xi32, #tpu.memory_space<hbm>> -> memref<8x80xi32, #tpu.memory_space<hbm>>
        tpu.enqueue_dma source(%dma_start3A_32 : memref<8x80xi32, #tpu.memory_space<hbm>>) target(%arg6 : memref<8x80xi32, #tpu.memory_space<vmem>>) target_semaphore(%run_scoped3A_29 : memref<!tpu.dma_semaphore, #tpu.memory_space<semaphore_mem>>)
        %dma_wait3A = arith.constant 0 : i32
        %dma_wait3A_33 = tpu.memref_slice %arg2[%mul3A_19, %dma_wait3A] : memref<10080x80xi32, #tpu.memory_space<hbm>> -> memref<8x80xi32, #tpu.memory_space<hbm>>
        %dma_wait3A_34 = arith.constant 0 : i32
        %dma_wait3A_35 = tpu.memref_slice %arg2[%mul3A_19, %dma_wait3A_34] : memref<10080x80xi32, #tpu.memory_space<hbm>> -> memref<8x80xi32, #tpu.memory_space<hbm>>
        tpu.wait_dma2 semaphore(%run_scoped3A_29 : memref<!tpu.dma_semaphore, #tpu.memory_space<semaphore_mem>>) src(%dma_wait3A_35 : memref<8x80xi32, #tpu.memory_space<hbm>>) dst(%arg6 : memref<8x80xi32, #tpu.memory_space<vmem>>)
        tpu.yield
      }) : () -> ()
      %mul3A_20 = arith.constant 640 : i32
      %mul3A_21 = arith.muli %add3A_17, %mul3A_20 : i32
      "tpu.region"() ({
        %run_scoped3A_29 = tpu.sem_alloc : memref<!tpu.dma_semaphore, #tpu.memory_space<semaphore_mem>>
        %dma_start3A = arith.constant 0 : i32
        %dma_start3A_30 = tpu.memref_slice %arg3[%mul3A_21, %dma_start3A] : memref<806400x16xf32, #tpu.memory_space<hbm>> -> memref<640x16xf32, #tpu.memory_space<hbm>>
        %dma_start3A_31 = arith.constant 0 : i32
        %dma_start3A_32 = tpu.memref_slice %arg3[%mul3A_21, %dma_start3A_31] : memref<806400x16xf32, #tpu.memory_space<hbm>> -> memref<640x16xf32, #tpu.memory_space<hbm>>
        tpu.enqueue_dma source(%dma_start3A_32 : memref<640x16xf32, #tpu.memory_space<hbm>>) target(%arg7 : memref<640x16xf32, #tpu.memory_space<vmem>>) target_semaphore(%run_scoped3A_29 : memref<!tpu.dma_semaphore, #tpu.memory_space<semaphore_mem>>)
        %dma_wait3A = arith.constant 0 : i32
        %dma_wait3A_33 = tpu.memref_slice %arg3[%mul3A_21, %dma_wait3A] : memref<806400x16xf32, #tpu.memory_space<hbm>> -> memref<640x16xf32, #tpu.memory_space<hbm>>
        %dma_wait3A_34 = arith.constant 0 : i32
        %dma_wait3A_35 = tpu.memref_slice %arg3[%mul3A_21, %dma_wait3A_34] : memref<806400x16xf32, #tpu.memory_space<hbm>> -> memref<640x16xf32, #tpu.memory_space<hbm>>
        tpu.wait_dma2 semaphore(%run_scoped3A_29 : memref<!tpu.dma_semaphore, #tpu.memory_space<semaphore_mem>>) src(%dma_wait3A_35 : memref<640x16xf32, #tpu.memory_space<hbm>>) dst(%arg7 : memref<640x16xf32, #tpu.memory_space<vmem>>)
        tpu.yield
      }) : () -> ()
      %run_scoped3A = arith.constant 0 : i32
      "tpu.region"() ({
        %run_scoped3A_29 = tpu.sem_alloc : memref<!tpu.dma_semaphore, #tpu.memory_space<semaphore_mem>>
        %dma_start3A = arith.constant 0 : i32
        %dma_start3A_30 = arith.constant 0 : i32
        %dma_start3A_31 = tpu.memref_slice %arg7[%dma_start3A, %dma_start3A_30] : memref<640x16xf32, #tpu.memory_space<vmem>> -> memref<80x16xf32, #tpu.memory_space<vmem>>
        %dma_start3A_32 = arith.constant 0 : i32
        %dma_start3A_33 = tpu.memref_slice %arg6[%run_scoped3A, %dma_start3A_32] : memref<8x80xi32, #tpu.memory_space<vmem>> -> memref<1x80xi32, #tpu.memory_space<vmem>>
        %dma_start3A_34 = tpu.memref_squeeze %dma_start3A_33 : memref<1x80xi32, #tpu.memory_space<vmem>> -> memref<80xi32, #tpu.memory_space<vmem>>
        %dma_start3A_35 = arith.constant 0 : i32
        %dma_start3A_36 = arith.constant 0 : i32
        %dma_start3A_37 = tpu.memref_slice %arg8[%dma_start3A_35, %dma_start3A_36] : memref<50048x16xf32, #tpu.memory_space<vmem_shared>> -> memref<50048x16xf32, #tpu.memory_space<vmem_shared>>
        tpu.enqueue_indirect_dma source(%dma_start3A_31 : memref<80x16xf32, #tpu.memory_space<vmem>>) target(%dma_start3A_37 : memref<50048x16xf32, #tpu.memory_space<vmem_shared>>) offsets(%dma_start3A_34 : memref<80xi32, #tpu.memory_space<vmem>>) semaphore(%run_scoped3A_29 : memref<!tpu.dma_semaphore, #tpu.memory_space<semaphore_mem>>) {add = true}
        %dma_wait3A = arith.constant 0 : i32
        %dma_wait3A_38 = arith.constant 0 : i32
        %dma_wait3A_39 = tpu.memref_slice %arg7[%dma_wait3A, %dma_wait3A_38] : memref<640x16xf32, #tpu.memory_space<vmem>> -> memref<80x16xf32, #tpu.memory_space<vmem>>
        %dma_wait3A_40 = arith.constant 0 : i32
        %dma_wait3A_41 = tpu.memref_slice %arg6[%run_scoped3A, %dma_wait3A_40] : memref<8x80xi32, #tpu.memory_space<vmem>> -> memref<1x80xi32, #tpu.memory_space<vmem>>
        %dma_wait3A_42 = tpu.memref_squeeze %dma_wait3A_41 : memref<1x80xi32, #tpu.memory_space<vmem>> -> memref<80xi32, #tpu.memory_space<vmem>>
        %dma_wait3A_43 = arith.constant 0 : i32
        %dma_wait3A_44 = arith.constant 0 : i32
        %dma_wait3A_45 = tpu.memref_slice %arg8[%dma_wait3A_43, %dma_wait3A_44] : memref<50048x16xf32, #tpu.memory_space<vmem_shared>> -> memref<50048x16xf32, #tpu.memory_space<vmem_shared>>
        tpu.wait_indirect_dma semaphore(%run_scoped3A_29 : memref<!tpu.dma_semaphore, #tpu.memory_space<semaphore_mem>>) src(%dma_wait3A_39 : memref<80x16xf32, #tpu.memory_space<vmem>>) dst(%dma_wait3A_45 : memref<50048x16xf32, #tpu.memory_space<vmem_shared>>)
        tpu.yield
      }) : () -> ()
      %run_scoped3A_22 = arith.constant 1 : i32
      "tpu.region"() ({
        %run_scoped3A_29 = tpu.sem_alloc : memref<!tpu.dma_semaphore, #tpu.memory_space<semaphore_mem>>
        %dma_start3A = arith.constant 80 : i32
        %dma_start3A_30 = arith.constant 0 : i32
        %dma_start3A_31 = tpu.memref_slice %arg7[%dma_start3A, %dma_start3A_30] : memref<640x16xf32, #tpu.memory_space<vmem>> -> memref<80x16xf32, #tpu.memory_space<vmem>>
        %dma_start3A_32 = arith.constant 0 : i32
        %dma_start3A_33 = tpu.memref_slice %arg6[%run_scoped3A_22, %dma_start3A_32] : memref<8x80xi32, #tpu.memory_space<vmem>> -> memref<1x80xi32, #tpu.memory_space<vmem>>
        %dma_start3A_34 = tpu.memref_squeeze %dma_start3A_33 : memref<1x80xi32, #tpu.memory_space<vmem>> -> memref<80xi32, #tpu.memory_space<vmem>>
        %dma_start3A_35 = arith.constant 0 : i32
        %dma_start3A_36 = arith.constant 0 : i32
        %dma_start3A_37 = tpu.memref_slice %arg8[%dma_start3A_35, %dma_start3A_36] : memref<50048x16xf32, #tpu.memory_space<vmem_shared>> -> memref<50048x16xf32, #tpu.memory_space<vmem_shared>>
        tpu.enqueue_indirect_dma source(%dma_start3A_31 : memref<80x16xf32, #tpu.memory_space<vmem>>) target(%dma_start3A_37 : memref<50048x16xf32, #tpu.memory_space<vmem_shared>>) offsets(%dma_start3A_34 : memref<80xi32, #tpu.memory_space<vmem>>) semaphore(%run_scoped3A_29 : memref<!tpu.dma_semaphore, #tpu.memory_space<semaphore_mem>>) {add = true}
        %dma_wait3A = arith.constant 80 : i32
        %dma_wait3A_38 = arith.constant 0 : i32
        %dma_wait3A_39 = tpu.memref_slice %arg7[%dma_wait3A, %dma_wait3A_38] : memref<640x16xf32, #tpu.memory_space<vmem>> -> memref<80x16xf32, #tpu.memory_space<vmem>>
        %dma_wait3A_40 = arith.constant 0 : i32
        %dma_wait3A_41 = tpu.memref_slice %arg6[%run_scoped3A_22, %dma_wait3A_40] : memref<8x80xi32, #tpu.memory_space<vmem>> -> memref<1x80xi32, #tpu.memory_space<vmem>>
        %dma_wait3A_42 = tpu.memref_squeeze %dma_wait3A_41 : memref<1x80xi32, #tpu.memory_space<vmem>> -> memref<80xi32, #tpu.memory_space<vmem>>
        %dma_wait3A_43 = arith.constant 0 : i32
        %dma_wait3A_44 = arith.constant 0 : i32
        %dma_wait3A_45 = tpu.memref_slice %arg8[%dma_wait3A_43, %dma_wait3A_44] : memref<50048x16xf32, #tpu.memory_space<vmem_shared>> -> memref<50048x16xf32, #tpu.memory_space<vmem_shared>>
        tpu.wait_indirect_dma semaphore(%run_scoped3A_29 : memref<!tpu.dma_semaphore, #tpu.memory_space<semaphore_mem>>) src(%dma_wait3A_39 : memref<80x16xf32, #tpu.memory_space<vmem>>) dst(%dma_wait3A_45 : memref<50048x16xf32, #tpu.memory_space<vmem_shared>>)
        tpu.yield
      }) : () -> ()
      %run_scoped3A_23 = arith.constant 2 : i32
      "tpu.region"() ({
        %run_scoped3A_29 = tpu.sem_alloc : memref<!tpu.dma_semaphore, #tpu.memory_space<semaphore_mem>>
        %dma_start3A = arith.constant 160 : i32
        %dma_start3A_30 = arith.constant 0 : i32
        %dma_start3A_31 = tpu.memref_slice %arg7[%dma_start3A, %dma_start3A_30] : memref<640x16xf32, #tpu.memory_space<vmem>> -> memref<80x16xf32, #tpu.memory_space<vmem>>
        %dma_start3A_32 = arith.constant 0 : i32
        %dma_start3A_33 = tpu.memref_slice %arg6[%run_scoped3A_23, %dma_start3A_32] : memref<8x80xi32, #tpu.memory_space<vmem>> -> memref<1x80xi32, #tpu.memory_space<vmem>>
        %dma_start3A_34 = tpu.memref_squeeze %dma_start3A_33 : memref<1x80xi32, #tpu.memory_space<vmem>> -> memref<80xi32, #tpu.memory_space<vmem>>
        %dma_start3A_35 = arith.constant 0 : i32
        %dma_start3A_36 = arith.constant 0 : i32
        %dma_start3A_37 = tpu.memref_slice %arg8[%dma_start3A_35, %dma_start3A_36] : memref<50048x16xf32, #tpu.memory_space<vmem_shared>> -> memref<50048x16xf32, #tpu.memory_space<vmem_shared>>
        tpu.enqueue_indirect_dma source(%dma_start3A_31 : memref<80x16xf32, #tpu.memory_space<vmem>>) target(%dma_start3A_37 : memref<50048x16xf32, #tpu.memory_space<vmem_shared>>) offsets(%dma_start3A_34 : memref<80xi32, #tpu.memory_space<vmem>>) semaphore(%run_scoped3A_29 : memref<!tpu.dma_semaphore, #tpu.memory_space<semaphore_mem>>) {add = true}
        %dma_wait3A = arith.constant 160 : i32
        %dma_wait3A_38 = arith.constant 0 : i32
        %dma_wait3A_39 = tpu.memref_slice %arg7[%dma_wait3A, %dma_wait3A_38] : memref<640x16xf32, #tpu.memory_space<vmem>> -> memref<80x16xf32, #tpu.memory_space<vmem>>
        %dma_wait3A_40 = arith.constant 0 : i32
        %dma_wait3A_41 = tpu.memref_slice %arg6[%run_scoped3A_23, %dma_wait3A_40] : memref<8x80xi32, #tpu.memory_space<vmem>> -> memref<1x80xi32, #tpu.memory_space<vmem>>
        %dma_wait3A_42 = tpu.memref_squeeze %dma_wait3A_41 : memref<1x80xi32, #tpu.memory_space<vmem>> -> memref<80xi32, #tpu.memory_space<vmem>>
        %dma_wait3A_43 = arith.constant 0 : i32
        %dma_wait3A_44 = arith.constant 0 : i32
        %dma_wait3A_45 = tpu.memref_slice %arg8[%dma_wait3A_43, %dma_wait3A_44] : memref<50048x16xf32, #tpu.memory_space<vmem_shared>> -> memref<50048x16xf32, #tpu.memory_space<vmem_shared>>
        tpu.wait_indirect_dma semaphore(%run_scoped3A_29 : memref<!tpu.dma_semaphore, #tpu.memory_space<semaphore_mem>>) src(%dma_wait3A_39 : memref<80x16xf32, #tpu.memory_space<vmem>>) dst(%dma_wait3A_45 : memref<50048x16xf32, #tpu.memory_space<vmem_shared>>)
        tpu.yield
      }) : () -> ()
      %run_scoped3A_24 = arith.constant 3 : i32
      "tpu.region"() ({
        %run_scoped3A_29 = tpu.sem_alloc : memref<!tpu.dma_semaphore, #tpu.memory_space<semaphore_mem>>
        %dma_start3A = arith.constant 240 : i32
        %dma_start3A_30 = arith.constant 0 : i32
        %dma_start3A_31 = tpu.memref_slice %arg7[%dma_start3A, %dma_start3A_30] : memref<640x16xf32, #tpu.memory_space<vmem>> -> memref<80x16xf32, #tpu.memory_space<vmem>>
        %dma_start3A_32 = arith.constant 0 : i32
        %dma_start3A_33 = tpu.memref_slice %arg6[%run_scoped3A_24, %dma_start3A_32] : memref<8x80xi32, #tpu.memory_space<vmem>> -> memref<1x80xi32, #tpu.memory_space<vmem>>
        %dma_start3A_34 = tpu.memref_squeeze %dma_start3A_33 : memref<1x80xi32, #tpu.memory_space<vmem>> -> memref<80xi32, #tpu.memory_space<vmem>>
        %dma_start3A_35 = arith.constant 0 : i32
        %dma_start3A_36 = arith.constant 0 : i32
        %dma_start3A_37 = tpu.memref_slice %arg8[%dma_start3A_35, %dma_start3A_36] : memref<50048x16xf32, #tpu.memory_space<vmem_shared>> -> memref<50048x16xf32, #tpu.memory_space<vmem_shared>>
        tpu.enqueue_indirect_dma source(%dma_start3A_31 : memref<80x16xf32, #tpu.memory_space<vmem>>) target(%dma_start3A_37 : memref<50048x16xf32, #tpu.memory_space<vmem_shared>>) offsets(%dma_start3A_34 : memref<80xi32, #tpu.memory_space<vmem>>) semaphore(%run_scoped3A_29 : memref<!tpu.dma_semaphore, #tpu.memory_space<semaphore_mem>>) {add = true}
        %dma_wait3A = arith.constant 240 : i32
        %dma_wait3A_38 = arith.constant 0 : i32
        %dma_wait3A_39 = tpu.memref_slice %arg7[%dma_wait3A, %dma_wait3A_38] : memref<640x16xf32, #tpu.memory_space<vmem>> -> memref<80x16xf32, #tpu.memory_space<vmem>>
        %dma_wait3A_40 = arith.constant 0 : i32
        %dma_wait3A_41 = tpu.memref_slice %arg6[%run_scoped3A_24, %dma_wait3A_40] : memref<8x80xi32, #tpu.memory_space<vmem>> -> memref<1x80xi32, #tpu.memory_space<vmem>>
        %dma_wait3A_42 = tpu.memref_squeeze %dma_wait3A_41 : memref<1x80xi32, #tpu.memory_space<vmem>> -> memref<80xi32, #tpu.memory_space<vmem>>
        %dma_wait3A_43 = arith.constant 0 : i32
        %dma_wait3A_44 = arith.constant 0 : i32
        %dma_wait3A_45 = tpu.memref_slice %arg8[%dma_wait3A_43, %dma_wait3A_44] : memref<50048x16xf32, #tpu.memory_space<vmem_shared>> -> memref<50048x16xf32, #tpu.memory_space<vmem_shared>>
        tpu.wait_indirect_dma semaphore(%run_scoped3A_29 : memref<!tpu.dma_semaphore, #tpu.memory_space<semaphore_mem>>) src(%dma_wait3A_39 : memref<80x16xf32, #tpu.memory_space<vmem>>) dst(%dma_wait3A_45 : memref<50048x16xf32, #tpu.memory_space<vmem_shared>>)
        tpu.yield
      }) : () -> ()
      %run_scoped3A_25 = arith.constant 4 : i32
      "tpu.region"() ({
        %run_scoped3A_29 = tpu.sem_alloc : memref<!tpu.dma_semaphore, #tpu.memory_space<semaphore_mem>>
        %dma_start3A = arith.constant 320 : i32
        %dma_start3A_30 = arith.constant 0 : i32
        %dma_start3A_31 = tpu.memref_slice %arg7[%dma_start3A, %dma_start3A_30] : memref<640x16xf32, #tpu.memory_space<vmem>> -> memref<80x16xf32, #tpu.memory_space<vmem>>
        %dma_start3A_32 = arith.constant 0 : i32
        %dma_start3A_33 = tpu.memref_slice %arg6[%run_scoped3A_25, %dma_start3A_32] : memref<8x80xi32, #tpu.memory_space<vmem>> -> memref<1x80xi32, #tpu.memory_space<vmem>>
        %dma_start3A_34 = tpu.memref_squeeze %dma_start3A_33 : memref<1x80xi32, #tpu.memory_space<vmem>> -> memref<80xi32, #tpu.memory_space<vmem>>
        %dma_start3A_35 = arith.constant 0 : i32
        %dma_start3A_36 = arith.constant 0 : i32
        %dma_start3A_37 = tpu.memref_slice %arg8[%dma_start3A_35, %dma_start3A_36] : memref<50048x16xf32, #tpu.memory_space<vmem_shared>> -> memref<50048x16xf32, #tpu.memory_space<vmem_shared>>
        tpu.enqueue_indirect_dma source(%dma_start3A_31 : memref<80x16xf32, #tpu.memory_space<vmem>>) target(%dma_start3A_37 : memref<50048x16xf32, #tpu.memory_space<vmem_shared>>) offsets(%dma_start3A_34 : memref<80xi32, #tpu.memory_space<vmem>>) semaphore(%run_scoped3A_29 : memref<!tpu.dma_semaphore, #tpu.memory_space<semaphore_mem>>) {add = true}
        %dma_wait3A = arith.constant 320 : i32
        %dma_wait3A_38 = arith.constant 0 : i32
        %dma_wait3A_39 = tpu.memref_slice %arg7[%dma_wait3A, %dma_wait3A_38] : memref<640x16xf32, #tpu.memory_space<vmem>> -> memref<80x16xf32, #tpu.memory_space<vmem>>
        %dma_wait3A_40 = arith.constant 0 : i32
        %dma_wait3A_41 = tpu.memref_slice %arg6[%run_scoped3A_25, %dma_wait3A_40] : memref<8x80xi32, #tpu.memory_space<vmem>> -> memref<1x80xi32, #tpu.memory_space<vmem>>
        %dma_wait3A_42 = tpu.memref_squeeze %dma_wait3A_41 : memref<1x80xi32, #tpu.memory_space<vmem>> -> memref<80xi32, #tpu.memory_space<vmem>>
        %dma_wait3A_43 = arith.constant 0 : i32
        %dma_wait3A_44 = arith.constant 0 : i32
        %dma_wait3A_45 = tpu.memref_slice %arg8[%dma_wait3A_43, %dma_wait3A_44] : memref<50048x16xf32, #tpu.memory_space<vmem_shared>> -> memref<50048x16xf32, #tpu.memory_space<vmem_shared>>
        tpu.wait_indirect_dma semaphore(%run_scoped3A_29 : memref<!tpu.dma_semaphore, #tpu.memory_space<semaphore_mem>>) src(%dma_wait3A_39 : memref<80x16xf32, #tpu.memory_space<vmem>>) dst(%dma_wait3A_45 : memref<50048x16xf32, #tpu.memory_space<vmem_shared>>)
        tpu.yield
      }) : () -> ()
      %run_scoped3A_26 = arith.constant 5 : i32
      "tpu.region"() ({
        %run_scoped3A_29 = tpu.sem_alloc : memref<!tpu.dma_semaphore, #tpu.memory_space<semaphore_mem>>
        %dma_start3A = arith.constant 400 : i32
        %dma_start3A_30 = arith.constant 0 : i32
        %dma_start3A_31 = tpu.memref_slice %arg7[%dma_start3A, %dma_start3A_30] : memref<640x16xf32, #tpu.memory_space<vmem>> -> memref<80x16xf32, #tpu.memory_space<vmem>>
        %dma_start3A_32 = arith.constant 0 : i32
        %dma_start3A_33 = tpu.memref_slice %arg6[%run_scoped3A_26, %dma_start3A_32] : memref<8x80xi32, #tpu.memory_space<vmem>> -> memref<1x80xi32, #tpu.memory_space<vmem>>
        %dma_start3A_34 = tpu.memref_squeeze %dma_start3A_33 : memref<1x80xi32, #tpu.memory_space<vmem>> -> memref<80xi32, #tpu.memory_space<vmem>>
        %dma_start3A_35 = arith.constant 0 : i32
        %dma_start3A_36 = arith.constant 0 : i32
        %dma_start3A_37 = tpu.memref_slice %arg8[%dma_start3A_35, %dma_start3A_36] : memref<50048x16xf32, #tpu.memory_space<vmem_shared>> -> memref<50048x16xf32, #tpu.memory_space<vmem_shared>>
        tpu.enqueue_indirect_dma source(%dma_start3A_31 : memref<80x16xf32, #tpu.memory_space<vmem>>) target(%dma_start3A_37 : memref<50048x16xf32, #tpu.memory_space<vmem_shared>>) offsets(%dma_start3A_34 : memref<80xi32, #tpu.memory_space<vmem>>) semaphore(%run_scoped3A_29 : memref<!tpu.dma_semaphore, #tpu.memory_space<semaphore_mem>>) {add = true}
        %dma_wait3A = arith.constant 400 : i32
        %dma_wait3A_38 = arith.constant 0 : i32
        %dma_wait3A_39 = tpu.memref_slice %arg7[%dma_wait3A, %dma_wait3A_38] : memref<640x16xf32, #tpu.memory_space<vmem>> -> memref<80x16xf32, #tpu.memory_space<vmem>>
        %dma_wait3A_40 = arith.constant 0 : i32
        %dma_wait3A_41 = tpu.memref_slice %arg6[%run_scoped3A_26, %dma_wait3A_40] : memref<8x80xi32, #tpu.memory_space<vmem>> -> memref<1x80xi32, #tpu.memory_space<vmem>>
        %dma_wait3A_42 = tpu.memref_squeeze %dma_wait3A_41 : memref<1x80xi32, #tpu.memory_space<vmem>> -> memref<80xi32, #tpu.memory_space<vmem>>
        %dma_wait3A_43 = arith.constant 0 : i32
        %dma_wait3A_44 = arith.constant 0 : i32
        %dma_wait3A_45 = tpu.memref_slice %arg8[%dma_wait3A_43, %dma_wait3A_44] : memref<50048x16xf32, #tpu.memory_space<vmem_shared>> -> memref<50048x16xf32, #tpu.memory_space<vmem_shared>>
        tpu.wait_indirect_dma semaphore(%run_scoped3A_29 : memref<!tpu.dma_semaphore, #tpu.memory_space<semaphore_mem>>) src(%dma_wait3A_39 : memref<80x16xf32, #tpu.memory_space<vmem>>) dst(%dma_wait3A_45 : memref<50048x16xf32, #tpu.memory_space<vmem_shared>>)
        tpu.yield
      }) : () -> ()
      %run_scoped3A_27 = arith.constant 6 : i32
      "tpu.region"() ({
        %run_scoped3A_29 = tpu.sem_alloc : memref<!tpu.dma_semaphore, #tpu.memory_space<semaphore_mem>>
        %dma_start3A = arith.constant 480 : i32
        %dma_start3A_30 = arith.constant 0 : i32
        %dma_start3A_31 = tpu.memref_slice %arg7[%dma_start3A, %dma_start3A_30] : memref<640x16xf32, #tpu.memory_space<vmem>> -> memref<80x16xf32, #tpu.memory_space<vmem>>
        %dma_start3A_32 = arith.constant 0 : i32
        %dma_start3A_33 = tpu.memref_slice %arg6[%run_scoped3A_27, %dma_start3A_32] : memref<8x80xi32, #tpu.memory_space<vmem>> -> memref<1x80xi32, #tpu.memory_space<vmem>>
        %dma_start3A_34 = tpu.memref_squeeze %dma_start3A_33 : memref<1x80xi32, #tpu.memory_space<vmem>> -> memref<80xi32, #tpu.memory_space<vmem>>
        %dma_start3A_35 = arith.constant 0 : i32
        %dma_start3A_36 = arith.constant 0 : i32
        %dma_start3A_37 = tpu.memref_slice %arg8[%dma_start3A_35, %dma_start3A_36] : memref<50048x16xf32, #tpu.memory_space<vmem_shared>> -> memref<50048x16xf32, #tpu.memory_space<vmem_shared>>
        tpu.enqueue_indirect_dma source(%dma_start3A_31 : memref<80x16xf32, #tpu.memory_space<vmem>>) target(%dma_start3A_37 : memref<50048x16xf32, #tpu.memory_space<vmem_shared>>) offsets(%dma_start3A_34 : memref<80xi32, #tpu.memory_space<vmem>>) semaphore(%run_scoped3A_29 : memref<!tpu.dma_semaphore, #tpu.memory_space<semaphore_mem>>) {add = true}
        %dma_wait3A = arith.constant 480 : i32
        %dma_wait3A_38 = arith.constant 0 : i32
        %dma_wait3A_39 = tpu.memref_slice %arg7[%dma_wait3A, %dma_wait3A_38] : memref<640x16xf32, #tpu.memory_space<vmem>> -> memref<80x16xf32, #tpu.memory_space<vmem>>
        %dma_wait3A_40 = arith.constant 0 : i32
        %dma_wait3A_41 = tpu.memref_slice %arg6[%run_scoped3A_27, %dma_wait3A_40] : memref<8x80xi32, #tpu.memory_space<vmem>> -> memref<1x80xi32, #tpu.memory_space<vmem>>
        %dma_wait3A_42 = tpu.memref_squeeze %dma_wait3A_41 : memref<1x80xi32, #tpu.memory_space<vmem>> -> memref<80xi32, #tpu.memory_space<vmem>>
        %dma_wait3A_43 = arith.constant 0 : i32
        %dma_wait3A_44 = arith.constant 0 : i32
        %dma_wait3A_45 = tpu.memref_slice %arg8[%dma_wait3A_43, %dma_wait3A_44] : memref<50048x16xf32, #tpu.memory_space<vmem_shared>> -> memref<50048x16xf32, #tpu.memory_space<vmem_shared>>
        tpu.wait_indirect_dma semaphore(%run_scoped3A_29 : memref<!tpu.dma_semaphore, #tpu.memory_space<semaphore_mem>>) src(%dma_wait3A_39 : memref<80x16xf32, #tpu.memory_space<vmem>>) dst(%dma_wait3A_45 : memref<50048x16xf32, #tpu.memory_space<vmem_shared>>)
        tpu.yield
      }) : () -> ()
      %run_scoped3A_28 = arith.constant 7 : i32
      "tpu.region"() ({
        %run_scoped3A_29 = tpu.sem_alloc : memref<!tpu.dma_semaphore, #tpu.memory_space<semaphore_mem>>
        %dma_start3A = arith.constant 560 : i32
        %dma_start3A_30 = arith.constant 0 : i32
        %dma_start3A_31 = tpu.memref_slice %arg7[%dma_start3A, %dma_start3A_30] : memref<640x16xf32, #tpu.memory_space<vmem>> -> memref<80x16xf32, #tpu.memory_space<vmem>>
        %dma_start3A_32 = arith.constant 0 : i32
        %dma_start3A_33 = tpu.memref_slice %arg6[%run_scoped3A_28, %dma_start3A_32] : memref<8x80xi32, #tpu.memory_space<vmem>> -> memref<1x80xi32, #tpu.memory_space<vmem>>
        %dma_start3A_34 = tpu.memref_squeeze %dma_start3A_33 : memref<1x80xi32, #tpu.memory_space<vmem>> -> memref<80xi32, #tpu.memory_space<vmem>>
        %dma_start3A_35 = arith.constant 0 : i32
        %dma_start3A_36 = arith.constant 0 : i32
        %dma_start3A_37 = tpu.memref_slice %arg8[%dma_start3A_35, %dma_start3A_36] : memref<50048x16xf32, #tpu.memory_space<vmem_shared>> -> memref<50048x16xf32, #tpu.memory_space<vmem_shared>>
        tpu.enqueue_indirect_dma source(%dma_start3A_31 : memref<80x16xf32, #tpu.memory_space<vmem>>) target(%dma_start3A_37 : memref<50048x16xf32, #tpu.memory_space<vmem_shared>>) offsets(%dma_start3A_34 : memref<80xi32, #tpu.memory_space<vmem>>) semaphore(%run_scoped3A_29 : memref<!tpu.dma_semaphore, #tpu.memory_space<semaphore_mem>>) {add = true}
        %dma_wait3A = arith.constant 560 : i32
        %dma_wait3A_38 = arith.constant 0 : i32
        %dma_wait3A_39 = tpu.memref_slice %arg7[%dma_wait3A, %dma_wait3A_38] : memref<640x16xf32, #tpu.memory_space<vmem>> -> memref<80x16xf32, #tpu.memory_space<vmem>>
        %dma_wait3A_40 = arith.constant 0 : i32
        %dma_wait3A_41 = tpu.memref_slice %arg6[%run_scoped3A_28, %dma_wait3A_40] : memref<8x80xi32, #tpu.memory_space<vmem>> -> memref<1x80xi32, #tpu.memory_space<vmem>>
        %dma_wait3A_42 = tpu.memref_squeeze %dma_wait3A_41 : memref<1x80xi32, #tpu.memory_space<vmem>> -> memref<80xi32, #tpu.memory_space<vmem>>
        %dma_wait3A_43 = arith.constant 0 : i32
        %dma_wait3A_44 = arith.constant 0 : i32
        %dma_wait3A_45 = tpu.memref_slice %arg8[%dma_wait3A_43, %dma_wait3A_44] : memref<50048x16xf32, #tpu.memory_space<vmem_shared>> -> memref<50048x16xf32, #tpu.memory_space<vmem_shared>>
        tpu.wait_indirect_dma semaphore(%run_scoped3A_29 : memref<!tpu.dma_semaphore, #tpu.memory_space<semaphore_mem>>) src(%dma_wait3A_39 : memref<80x16xf32, #tpu.memory_space<vmem>>) dst(%dma_wait3A_45 : memref<50048x16xf32, #tpu.memory_space<vmem_shared>>)
        tpu.yield
      }) : () -> ()
    } else {
    }
    %barrier3A_11 = arith.constant 0 : index
    tpu.barrier barrier_id(%barrier3A_11)
    %mul3A_12 = arith.constant 3128 : i32
    %mul3A_13 = arith.muli %arg1, %mul3A_12 : i32
    %mul3A_14 = arith.constant 3128 : i32
    %mul3A_15 = arith.muli %arg1, %mul3A_14 : i32
    "tpu.region"() ({
      %run_scoped3A = tpu.sem_alloc : memref<!tpu.dma_semaphore, #tpu.memory_space<semaphore_mem>>
      %dma_start3A = arith.constant 0 : i32
      %dma_start3A_16 = tpu.memref_slice %arg5[%arg0, %mul3A_15, %dma_start3A] : memref<2x50048x16xf32, #tpu.memory_space<hbm>> -> memref<1x3128x16xf32, #tpu.memory_space<hbm>>
      %dma_start3A_17 = tpu.memref_squeeze %dma_start3A_16 : memref<1x3128x16xf32, #tpu.memory_space<hbm>> -> memref<3128x16xf32, #tpu.memory_space<hbm>>
      %dma_start3A_18 = arith.constant 0 : i32
      %dma_start3A_19 = tpu.memref_slice %arg8[%mul3A_13, %dma_start3A_18] : memref<50048x16xf32, #tpu.memory_space<vmem_shared>> -> memref<3128x16xf32, #tpu.memory_space<vmem_shared>>
      tpu.enqueue_dma source(%dma_start3A_19 : memref<3128x16xf32, #tpu.memory_space<vmem_shared>>) target(%dma_start3A_17 : memref<3128x16xf32, #tpu.memory_space<hbm>>) target_semaphore(%run_scoped3A : memref<!tpu.dma_semaphore, #tpu.memory_space<semaphore_mem>>)
      %dma_wait3A = arith.constant 0 : i32
      %dma_wait3A_20 = tpu.memref_slice %arg5[%arg0, %mul3A_15, %dma_wait3A] : memref<2x50048x16xf32, #tpu.memory_space<hbm>> -> memref<1x3128x16xf32, #tpu.memory_space<hbm>>
      %dma_wait3A_21 = tpu.memref_squeeze %dma_wait3A_20 : memref<1x3128x16xf32, #tpu.memory_space<hbm>> -> memref<3128x16xf32, #tpu.memory_space<hbm>>
      %dma_wait3A_22 = arith.constant 0 : i32
      %dma_wait3A_23 = tpu.memref_slice %arg8[%mul3A_13, %dma_wait3A_22] : memref<50048x16xf32, #tpu.memory_space<vmem_shared>> -> memref<3128x16xf32, #tpu.memory_space<vmem_shared>>
      tpu.wait_dma2 semaphore(%run_scoped3A : memref<!tpu.dma_semaphore, #tpu.memory_space<semaphore_mem>>) src(%dma_wait3A_23 : memref<3128x16xf32, #tpu.memory_space<vmem_shared>>) dst(%dma_wait3A_21 : memref<3128x16xf32, #tpu.memory_space<hbm>>)
      tpu.yield
    }) : () -> ()
    return
  }
}

#map = affine_map<(d0, d1) -> (0, 0)>
#map1 = affine_map<(d0, d1) -> (0, 0, 0)>
module attributes {stable_mosaic.version = 14 : i64} {
  func.func @k(%arg0: i32, %arg1: i32, %arg2: memref<9920x80xi32, #tpu.memory_space<hbm>>, %arg3: memref<793600x16xf32, #tpu.memory_space<hbm>>, %arg4: memref<50048x16xf32, #tpu.memory_space<hbm>>, %arg5: memref<2x50048x16xf32, #tpu.memory_space<hbm>>, %arg6: memref<8x80xi32, #tpu.memory_space<vmem>>, %arg7: memref<640x16xf32, #tpu.memory_space<vmem>>, %arg8: memref<50048x16xf32, #tpu.memory_space<vmem_shared>>) attributes {dimension_semantics = [#tpu.dimension_semantics<core_parallel>, #tpu.dimension_semantics<subcore_parallel>], iteration_bounds = array<i64: 2, 16>, scalar_prefetch = 0 : i64, scratch_operands = 3 : i64, tpu.core_type = #tpu.core_type<sc_vector_subcore>, window_params = [{transform_indices = #map}, {transform_indices = #map}, {transform_indices = #map}, {transform_indices = #map1}]} {
    %mul3A = arith.constant 2 : i32
    %mul3A_0 = arith.muli %arg1, %mul3A : i32
    %add3A = arith.addi %mul3A_0, %arg0 : i32
    %mul3A_1 = arith.constant 3128 : i32
    %mul3A_2 = arith.muli %arg1, %mul3A_1 : i32
    %mul3A_3 = arith.constant 3128 : i32
    %mul3A_4 = arith.muli %arg1, %mul3A_3 : i32
    "tpu.region"() ({
      %run_scoped3A = tpu.sem_alloc : memref<!tpu.dma_semaphore, #tpu.memory_space<semaphore_mem>>
      %dma_start3A = arith.constant 0 : i32
      %dma_start3A_16 = tpu.memref_slice %arg8[%mul3A_4, %dma_start3A] : memref<50048x16xf32, #tpu.memory_space<vmem_shared>> -> memref<3128x16xf32, #tpu.memory_space<vmem_shared>>
      %dma_start3A_17 = arith.constant 0 : i32
      %dma_start3A_18 = tpu.memref_slice %arg4[%mul3A_2, %dma_start3A_17] : memref<50048x16xf32, #tpu.memory_space<hbm>> -> memref<3128x16xf32, #tpu.memory_space<hbm>>
      tpu.enqueue_dma source(%dma_start3A_18 : memref<3128x16xf32, #tpu.memory_space<hbm>>) target(%dma_start3A_16 : memref<3128x16xf32, #tpu.memory_space<vmem_shared>>) target_semaphore(%run_scoped3A : memref<!tpu.dma_semaphore, #tpu.memory_space<semaphore_mem>>)
      %dma_wait3A = arith.constant 0 : i32
      %dma_wait3A_19 = tpu.memref_slice %arg8[%mul3A_4, %dma_wait3A] : memref<50048x16xf32, #tpu.memory_space<vmem_shared>> -> memref<3128x16xf32, #tpu.memory_space<vmem_shared>>
      %dma_wait3A_20 = arith.constant 0 : i32
      %dma_wait3A_21 = tpu.memref_slice %arg4[%mul3A_2, %dma_wait3A_20] : memref<50048x16xf32, #tpu.memory_space<hbm>> -> memref<3128x16xf32, #tpu.memory_space<hbm>>
      tpu.wait_dma2 semaphore(%run_scoped3A : memref<!tpu.dma_semaphore, #tpu.memory_space<semaphore_mem>>) src(%dma_wait3A_21 : memref<3128x16xf32, #tpu.memory_space<hbm>>) dst(%dma_wait3A_19 : memref<3128x16xf32, #tpu.memory_space<vmem_shared>>)
      tpu.yield
    }) : () -> ()
    %barrier3A = arith.constant 0 : index
    tpu.barrier barrier_id(%barrier3A)
    %scan3A = arith.constant 0 : i32
    %scan3A_5 = arith.constant 38 : i32
    %scan3A_6 = arith.addi %scan3A, %scan3A_5 : i32
    %scan3A_7 = arith.constant 1 : i32
    scf.for %scan3A_16 = %scan3A to %scan3A_6 step %scan3A_7  : i32 {
      %mul3A_17 = arith.constant 1 : i32
      %mul3A_18 = arith.muli %scan3A_16, %mul3A_17 : i32
      %add3A_19 = arith.constant 0 : i32
      %add3A_20 = arith.addi %add3A_19, %mul3A_18 : i32
      %mul3A_21 = arith.constant 32 : i32
      %mul3A_22 = arith.muli %add3A_20, %mul3A_21 : i32
      %add3A_23 = arith.addi %mul3A_22, %add3A : i32
      %mul3A_24 = arith.constant 8 : i32
      %mul3A_25 = arith.muli %add3A_23, %mul3A_24 : i32
      "tpu.region"() ({
        %run_scoped3A_35 = tpu.sem_alloc : memref<!tpu.dma_semaphore, #tpu.memory_space<semaphore_mem>>
        %dma_start3A = arith.constant 0 : i32
        %dma_start3A_36 = tpu.memref_slice %arg2[%mul3A_25, %dma_start3A] : memref<9920x80xi32, #tpu.memory_space<hbm>> -> memref<8x80xi32, #tpu.memory_space<hbm>>
        %dma_start3A_37 = arith.constant 0 : i32
        %dma_start3A_38 = tpu.memref_slice %arg2[%mul3A_25, %dma_start3A_37] : memref<9920x80xi32, #tpu.memory_space<hbm>> -> memref<8x80xi32, #tpu.memory_space<hbm>>
        tpu.enqueue_dma source(%dma_start3A_38 : memref<8x80xi32, #tpu.memory_space<hbm>>) target(%arg6 : memref<8x80xi32, #tpu.memory_space<vmem>>) target_semaphore(%run_scoped3A_35 : memref<!tpu.dma_semaphore, #tpu.memory_space<semaphore_mem>>)
        %dma_wait3A = arith.constant 0 : i32
        %dma_wait3A_39 = tpu.memref_slice %arg2[%mul3A_25, %dma_wait3A] : memref<9920x80xi32, #tpu.memory_space<hbm>> -> memref<8x80xi32, #tpu.memory_space<hbm>>
        %dma_wait3A_40 = arith.constant 0 : i32
        %dma_wait3A_41 = tpu.memref_slice %arg2[%mul3A_25, %dma_wait3A_40] : memref<9920x80xi32, #tpu.memory_space<hbm>> -> memref<8x80xi32, #tpu.memory_space<hbm>>
        tpu.wait_dma2 semaphore(%run_scoped3A_35 : memref<!tpu.dma_semaphore, #tpu.memory_space<semaphore_mem>>) src(%dma_wait3A_41 : memref<8x80xi32, #tpu.memory_space<hbm>>) dst(%arg6 : memref<8x80xi32, #tpu.memory_space<vmem>>)
        tpu.yield
      }) : () -> ()
      %mul3A_26 = arith.constant 640 : i32
      %mul3A_27 = arith.muli %add3A_23, %mul3A_26 : i32
      "tpu.region"() ({
        %run_scoped3A_35 = tpu.sem_alloc : memref<!tpu.dma_semaphore, #tpu.memory_space<semaphore_mem>>
        %dma_start3A = arith.constant 0 : i32
        %dma_start3A_36 = tpu.memref_slice %arg3[%mul3A_27, %dma_start3A] : memref<793600x16xf32, #tpu.memory_space<hbm>> -> memref<640x16xf32, #tpu.memory_space<hbm>>
        %dma_start3A_37 = arith.constant 0 : i32
        %dma_start3A_38 = tpu.memref_slice %arg3[%mul3A_27, %dma_start3A_37] : memref<793600x16xf32, #tpu.memory_space<hbm>> -> memref<640x16xf32, #tpu.memory_space<hbm>>
        tpu.enqueue_dma source(%dma_start3A_38 : memref<640x16xf32, #tpu.memory_space<hbm>>) target(%arg7 : memref<640x16xf32, #tpu.memory_space<vmem>>) target_semaphore(%run_scoped3A_35 : memref<!tpu.dma_semaphore, #tpu.memory_space<semaphore_mem>>)
        %dma_wait3A = arith.constant 0 : i32
        %dma_wait3A_39 = tpu.memref_slice %arg3[%mul3A_27, %dma_wait3A] : memref<793600x16xf32, #tpu.memory_space<hbm>> -> memref<640x16xf32, #tpu.memory_space<hbm>>
        %dma_wait3A_40 = arith.constant 0 : i32
        %dma_wait3A_41 = tpu.memref_slice %arg3[%mul3A_27, %dma_wait3A_40] : memref<793600x16xf32, #tpu.memory_space<hbm>> -> memref<640x16xf32, #tpu.memory_space<hbm>>
        tpu.wait_dma2 semaphore(%run_scoped3A_35 : memref<!tpu.dma_semaphore, #tpu.memory_space<semaphore_mem>>) src(%dma_wait3A_41 : memref<640x16xf32, #tpu.memory_space<hbm>>) dst(%arg7 : memref<640x16xf32, #tpu.memory_space<vmem>>)
        tpu.yield
      }) : () -> ()
      %run_scoped3A = arith.constant 0 : i32
      "tpu.region"() ({
        %run_scoped3A_35 = tpu.sem_alloc : memref<!tpu.dma_semaphore, #tpu.memory_space<semaphore_mem>>
        %dma_start3A = arith.constant 0 : i32
        %dma_start3A_36 = arith.constant 0 : i32
        %dma_start3A_37 = tpu.memref_slice %arg7[%dma_start3A, %dma_start3A_36] : memref<640x16xf32, #tpu.memory_space<vmem>> -> memref<80x16xf32, #tpu.memory_space<vmem>>
        %dma_start3A_38 = arith.constant 0 : i32
        %dma_start3A_39 = tpu.memref_slice %arg6[%run_scoped3A, %dma_start3A_38] : memref<8x80xi32, #tpu.memory_space<vmem>> -> memref<1x80xi32, #tpu.memory_space<vmem>>
        %dma_start3A_40 = tpu.memref_squeeze %dma_start3A_39 : memref<1x80xi32, #tpu.memory_space<vmem>> -> memref<80xi32, #tpu.memory_space<vmem>>
        %dma_start3A_41 = arith.constant 0 : i32
        %dma_start3A_42 = arith.constant 0 : i32
        %dma_start3A_43 = tpu.memref_slice %arg8[%dma_start3A_41, %dma_start3A_42] : memref<50048x16xf32, #tpu.memory_space<vmem_shared>> -> memref<50048x16xf32, #tpu.memory_space<vmem_shared>>
        tpu.enqueue_indirect_dma source(%dma_start3A_37 : memref<80x16xf32, #tpu.memory_space<vmem>>) target(%dma_start3A_43 : memref<50048x16xf32, #tpu.memory_space<vmem_shared>>) offsets(%dma_start3A_40 : memref<80xi32, #tpu.memory_space<vmem>>) semaphore(%run_scoped3A_35 : memref<!tpu.dma_semaphore, #tpu.memory_space<semaphore_mem>>) {add = true}
        %dma_wait3A = arith.constant 0 : i32
        %dma_wait3A_44 = arith.constant 0 : i32
        %dma_wait3A_45 = tpu.memref_slice %arg7[%dma_wait3A, %dma_wait3A_44] : memref<640x16xf32, #tpu.memory_space<vmem>> -> memref<80x16xf32, #tpu.memory_space<vmem>>
        %dma_wait3A_46 = arith.constant 0 : i32
        %dma_wait3A_47 = tpu.memref_slice %arg6[%run_scoped3A, %dma_wait3A_46] : memref<8x80xi32, #tpu.memory_space<vmem>> -> memref<1x80xi32, #tpu.memory_space<vmem>>
        %dma_wait3A_48 = tpu.memref_squeeze %dma_wait3A_47 : memref<1x80xi32, #tpu.memory_space<vmem>> -> memref<80xi32, #tpu.memory_space<vmem>>
        %dma_wait3A_49 = arith.constant 0 : i32
        %dma_wait3A_50 = arith.constant 0 : i32
        %dma_wait3A_51 = tpu.memref_slice %arg8[%dma_wait3A_49, %dma_wait3A_50] : memref<50048x16xf32, #tpu.memory_space<vmem_shared>> -> memref<50048x16xf32, #tpu.memory_space<vmem_shared>>
        tpu.wait_indirect_dma semaphore(%run_scoped3A_35 : memref<!tpu.dma_semaphore, #tpu.memory_space<semaphore_mem>>) src(%dma_wait3A_45 : memref<80x16xf32, #tpu.memory_space<vmem>>) dst(%dma_wait3A_51 : memref<50048x16xf32, #tpu.memory_space<vmem_shared>>)
        tpu.yield
      }) : () -> ()
      %run_scoped3A_28 = arith.constant 1 : i32
      "tpu.region"() ({
        %run_scoped3A_35 = tpu.sem_alloc : memref<!tpu.dma_semaphore, #tpu.memory_space<semaphore_mem>>
        %dma_start3A = arith.constant 80 : i32
        %dma_start3A_36 = arith.constant 0 : i32
        %dma_start3A_37 = tpu.memref_slice %arg7[%dma_start3A, %dma_start3A_36] : memref<640x16xf32, #tpu.memory_space<vmem>> -> memref<80x16xf32, #tpu.memory_space<vmem>>
        %dma_start3A_38 = arith.constant 0 : i32
        %dma_start3A_39 = tpu.memref_slice %arg6[%run_scoped3A_28, %dma_start3A_38] : memref<8x80xi32, #tpu.memory_space<vmem>> -> memref<1x80xi32, #tpu.memory_space<vmem>>
        %dma_start3A_40 = tpu.memref_squeeze %dma_start3A_39 : memref<1x80xi32, #tpu.memory_space<vmem>> -> memref<80xi32, #tpu.memory_space<vmem>>
        %dma_start3A_41 = arith.constant 0 : i32
        %dma_start3A_42 = arith.constant 0 : i32
        %dma_start3A_43 = tpu.memref_slice %arg8[%dma_start3A_41, %dma_start3A_42] : memref<50048x16xf32, #tpu.memory_space<vmem_shared>> -> memref<50048x16xf32, #tpu.memory_space<vmem_shared>>
        tpu.enqueue_indirect_dma source(%dma_start3A_37 : memref<80x16xf32, #tpu.memory_space<vmem>>) target(%dma_start3A_43 : memref<50048x16xf32, #tpu.memory_space<vmem_shared>>) offsets(%dma_start3A_40 : memref<80xi32, #tpu.memory_space<vmem>>) semaphore(%run_scoped3A_35 : memref<!tpu.dma_semaphore, #tpu.memory_space<semaphore_mem>>) {add = true}
        %dma_wait3A = arith.constant 80 : i32
        %dma_wait3A_44 = arith.constant 0 : i32
        %dma_wait3A_45 = tpu.memref_slice %arg7[%dma_wait3A, %dma_wait3A_44] : memref<640x16xf32, #tpu.memory_space<vmem>> -> memref<80x16xf32, #tpu.memory_space<vmem>>
        %dma_wait3A_46 = arith.constant 0 : i32
        %dma_wait3A_47 = tpu.memref_slice %arg6[%run_scoped3A_28, %dma_wait3A_46] : memref<8x80xi32, #tpu.memory_space<vmem>> -> memref<1x80xi32, #tpu.memory_space<vmem>>
        %dma_wait3A_48 = tpu.memref_squeeze %dma_wait3A_47 : memref<1x80xi32, #tpu.memory_space<vmem>> -> memref<80xi32, #tpu.memory_space<vmem>>
        %dma_wait3A_49 = arith.constant 0 : i32
        %dma_wait3A_50 = arith.constant 0 : i32
        %dma_wait3A_51 = tpu.memref_slice %arg8[%dma_wait3A_49, %dma_wait3A_50] : memref<50048x16xf32, #tpu.memory_space<vmem_shared>> -> memref<50048x16xf32, #tpu.memory_space<vmem_shared>>
        tpu.wait_indirect_dma semaphore(%run_scoped3A_35 : memref<!tpu.dma_semaphore, #tpu.memory_space<semaphore_mem>>) src(%dma_wait3A_45 : memref<80x16xf32, #tpu.memory_space<vmem>>) dst(%dma_wait3A_51 : memref<50048x16xf32, #tpu.memory_space<vmem_shared>>)
        tpu.yield
      }) : () -> ()
      %run_scoped3A_29 = arith.constant 2 : i32
      "tpu.region"() ({
        %run_scoped3A_35 = tpu.sem_alloc : memref<!tpu.dma_semaphore, #tpu.memory_space<semaphore_mem>>
        %dma_start3A = arith.constant 160 : i32
        %dma_start3A_36 = arith.constant 0 : i32
        %dma_start3A_37 = tpu.memref_slice %arg7[%dma_start3A, %dma_start3A_36] : memref<640x16xf32, #tpu.memory_space<vmem>> -> memref<80x16xf32, #tpu.memory_space<vmem>>
        %dma_start3A_38 = arith.constant 0 : i32
        %dma_start3A_39 = tpu.memref_slice %arg6[%run_scoped3A_29, %dma_start3A_38] : memref<8x80xi32, #tpu.memory_space<vmem>> -> memref<1x80xi32, #tpu.memory_space<vmem>>
        %dma_start3A_40 = tpu.memref_squeeze %dma_start3A_39 : memref<1x80xi32, #tpu.memory_space<vmem>> -> memref<80xi32, #tpu.memory_space<vmem>>
        %dma_start3A_41 = arith.constant 0 : i32
        %dma_start3A_42 = arith.constant 0 : i32
        %dma_start3A_43 = tpu.memref_slice %arg8[%dma_start3A_41, %dma_start3A_42] : memref<50048x16xf32, #tpu.memory_space<vmem_shared>> -> memref<50048x16xf32, #tpu.memory_space<vmem_shared>>
        tpu.enqueue_indirect_dma source(%dma_start3A_37 : memref<80x16xf32, #tpu.memory_space<vmem>>) target(%dma_start3A_43 : memref<50048x16xf32, #tpu.memory_space<vmem_shared>>) offsets(%dma_start3A_40 : memref<80xi32, #tpu.memory_space<vmem>>) semaphore(%run_scoped3A_35 : memref<!tpu.dma_semaphore, #tpu.memory_space<semaphore_mem>>) {add = true}
        %dma_wait3A = arith.constant 160 : i32
        %dma_wait3A_44 = arith.constant 0 : i32
        %dma_wait3A_45 = tpu.memref_slice %arg7[%dma_wait3A, %dma_wait3A_44] : memref<640x16xf32, #tpu.memory_space<vmem>> -> memref<80x16xf32, #tpu.memory_space<vmem>>
        %dma_wait3A_46 = arith.constant 0 : i32
        %dma_wait3A_47 = tpu.memref_slice %arg6[%run_scoped3A_29, %dma_wait3A_46] : memref<8x80xi32, #tpu.memory_space<vmem>> -> memref<1x80xi32, #tpu.memory_space<vmem>>
        %dma_wait3A_48 = tpu.memref_squeeze %dma_wait3A_47 : memref<1x80xi32, #tpu.memory_space<vmem>> -> memref<80xi32, #tpu.memory_space<vmem>>
        %dma_wait3A_49 = arith.constant 0 : i32
        %dma_wait3A_50 = arith.constant 0 : i32
        %dma_wait3A_51 = tpu.memref_slice %arg8[%dma_wait3A_49, %dma_wait3A_50] : memref<50048x16xf32, #tpu.memory_space<vmem_shared>> -> memref<50048x16xf32, #tpu.memory_space<vmem_shared>>
        tpu.wait_indirect_dma semaphore(%run_scoped3A_35 : memref<!tpu.dma_semaphore, #tpu.memory_space<semaphore_mem>>) src(%dma_wait3A_45 : memref<80x16xf32, #tpu.memory_space<vmem>>) dst(%dma_wait3A_51 : memref<50048x16xf32, #tpu.memory_space<vmem_shared>>)
        tpu.yield
      }) : () -> ()
      %run_scoped3A_30 = arith.constant 3 : i32
      "tpu.region"() ({
        %run_scoped3A_35 = tpu.sem_alloc : memref<!tpu.dma_semaphore, #tpu.memory_space<semaphore_mem>>
        %dma_start3A = arith.constant 240 : i32
        %dma_start3A_36 = arith.constant 0 : i32
        %dma_start3A_37 = tpu.memref_slice %arg7[%dma_start3A, %dma_start3A_36] : memref<640x16xf32, #tpu.memory_space<vmem>> -> memref<80x16xf32, #tpu.memory_space<vmem>>
        %dma_start3A_38 = arith.constant 0 : i32
        %dma_start3A_39 = tpu.memref_slice %arg6[%run_scoped3A_30, %dma_start3A_38] : memref<8x80xi32, #tpu.memory_space<vmem>> -> memref<1x80xi32, #tpu.memory_space<vmem>>
        %dma_start3A_40 = tpu.memref_squeeze %dma_start3A_39 : memref<1x80xi32, #tpu.memory_space<vmem>> -> memref<80xi32, #tpu.memory_space<vmem>>
        %dma_start3A_41 = arith.constant 0 : i32
        %dma_start3A_42 = arith.constant 0 : i32
        %dma_start3A_43 = tpu.memref_slice %arg8[%dma_start3A_41, %dma_start3A_42] : memref<50048x16xf32, #tpu.memory_space<vmem_shared>> -> memref<50048x16xf32, #tpu.memory_space<vmem_shared>>
        tpu.enqueue_indirect_dma source(%dma_start3A_37 : memref<80x16xf32, #tpu.memory_space<vmem>>) target(%dma_start3A_43 : memref<50048x16xf32, #tpu.memory_space<vmem_shared>>) offsets(%dma_start3A_40 : memref<80xi32, #tpu.memory_space<vmem>>) semaphore(%run_scoped3A_35 : memref<!tpu.dma_semaphore, #tpu.memory_space<semaphore_mem>>) {add = true}
        %dma_wait3A = arith.constant 240 : i32
        %dma_wait3A_44 = arith.constant 0 : i32
        %dma_wait3A_45 = tpu.memref_slice %arg7[%dma_wait3A, %dma_wait3A_44] : memref<640x16xf32, #tpu.memory_space<vmem>> -> memref<80x16xf32, #tpu.memory_space<vmem>>
        %dma_wait3A_46 = arith.constant 0 : i32
        %dma_wait3A_47 = tpu.memref_slice %arg6[%run_scoped3A_30, %dma_wait3A_46] : memref<8x80xi32, #tpu.memory_space<vmem>> -> memref<1x80xi32, #tpu.memory_space<vmem>>
        %dma_wait3A_48 = tpu.memref_squeeze %dma_wait3A_47 : memref<1x80xi32, #tpu.memory_space<vmem>> -> memref<80xi32, #tpu.memory_space<vmem>>
        %dma_wait3A_49 = arith.constant 0 : i32
        %dma_wait3A_50 = arith.constant 0 : i32
        %dma_wait3A_51 = tpu.memref_slice %arg8[%dma_wait3A_49, %dma_wait3A_50] : memref<50048x16xf32, #tpu.memory_space<vmem_shared>> -> memref<50048x16xf32, #tpu.memory_space<vmem_shared>>
        tpu.wait_indirect_dma semaphore(%run_scoped3A_35 : memref<!tpu.dma_semaphore, #tpu.memory_space<semaphore_mem>>) src(%dma_wait3A_45 : memref<80x16xf32, #tpu.memory_space<vmem>>) dst(%dma_wait3A_51 : memref<50048x16xf32, #tpu.memory_space<vmem_shared>>)
        tpu.yield
      }) : () -> ()
      %run_scoped3A_31 = arith.constant 4 : i32
      "tpu.region"() ({
        %run_scoped3A_35 = tpu.sem_alloc : memref<!tpu.dma_semaphore, #tpu.memory_space<semaphore_mem>>
        %dma_start3A = arith.constant 320 : i32
        %dma_start3A_36 = arith.constant 0 : i32
        %dma_start3A_37 = tpu.memref_slice %arg7[%dma_start3A, %dma_start3A_36] : memref<640x16xf32, #tpu.memory_space<vmem>> -> memref<80x16xf32, #tpu.memory_space<vmem>>
        %dma_start3A_38 = arith.constant 0 : i32
        %dma_start3A_39 = tpu.memref_slice %arg6[%run_scoped3A_31, %dma_start3A_38] : memref<8x80xi32, #tpu.memory_space<vmem>> -> memref<1x80xi32, #tpu.memory_space<vmem>>
        %dma_start3A_40 = tpu.memref_squeeze %dma_start3A_39 : memref<1x80xi32, #tpu.memory_space<vmem>> -> memref<80xi32, #tpu.memory_space<vmem>>
        %dma_start3A_41 = arith.constant 0 : i32
        %dma_start3A_42 = arith.constant 0 : i32
        %dma_start3A_43 = tpu.memref_slice %arg8[%dma_start3A_41, %dma_start3A_42] : memref<50048x16xf32, #tpu.memory_space<vmem_shared>> -> memref<50048x16xf32, #tpu.memory_space<vmem_shared>>
        tpu.enqueue_indirect_dma source(%dma_start3A_37 : memref<80x16xf32, #tpu.memory_space<vmem>>) target(%dma_start3A_43 : memref<50048x16xf32, #tpu.memory_space<vmem_shared>>) offsets(%dma_start3A_40 : memref<80xi32, #tpu.memory_space<vmem>>) semaphore(%run_scoped3A_35 : memref<!tpu.dma_semaphore, #tpu.memory_space<semaphore_mem>>) {add = true}
        %dma_wait3A = arith.constant 320 : i32
        %dma_wait3A_44 = arith.constant 0 : i32
        %dma_wait3A_45 = tpu.memref_slice %arg7[%dma_wait3A, %dma_wait3A_44] : memref<640x16xf32, #tpu.memory_space<vmem>> -> memref<80x16xf32, #tpu.memory_space<vmem>>
        %dma_wait3A_46 = arith.constant 0 : i32
        %dma_wait3A_47 = tpu.memref_slice %arg6[%run_scoped3A_31, %dma_wait3A_46] : memref<8x80xi32, #tpu.memory_space<vmem>> -> memref<1x80xi32, #tpu.memory_space<vmem>>
        %dma_wait3A_48 = tpu.memref_squeeze %dma_wait3A_47 : memref<1x80xi32, #tpu.memory_space<vmem>> -> memref<80xi32, #tpu.memory_space<vmem>>
        %dma_wait3A_49 = arith.constant 0 : i32
        %dma_wait3A_50 = arith.constant 0 : i32
        %dma_wait3A_51 = tpu.memref_slice %arg8[%dma_wait3A_49, %dma_wait3A_50] : memref<50048x16xf32, #tpu.memory_space<vmem_shared>> -> memref<50048x16xf32, #tpu.memory_space<vmem_shared>>
        tpu.wait_indirect_dma semaphore(%run_scoped3A_35 : memref<!tpu.dma_semaphore, #tpu.memory_space<semaphore_mem>>) src(%dma_wait3A_45 : memref<80x16xf32, #tpu.memory_space<vmem>>) dst(%dma_wait3A_51 : memref<50048x16xf32, #tpu.memory_space<vmem_shared>>)
        tpu.yield
      }) : () -> ()
      %run_scoped3A_32 = arith.constant 5 : i32
      "tpu.region"() ({
        %run_scoped3A_35 = tpu.sem_alloc : memref<!tpu.dma_semaphore, #tpu.memory_space<semaphore_mem>>
        %dma_start3A = arith.constant 400 : i32
        %dma_start3A_36 = arith.constant 0 : i32
        %dma_start3A_37 = tpu.memref_slice %arg7[%dma_start3A, %dma_start3A_36] : memref<640x16xf32, #tpu.memory_space<vmem>> -> memref<80x16xf32, #tpu.memory_space<vmem>>
        %dma_start3A_38 = arith.constant 0 : i32
        %dma_start3A_39 = tpu.memref_slice %arg6[%run_scoped3A_32, %dma_start3A_38] : memref<8x80xi32, #tpu.memory_space<vmem>> -> memref<1x80xi32, #tpu.memory_space<vmem>>
        %dma_start3A_40 = tpu.memref_squeeze %dma_start3A_39 : memref<1x80xi32, #tpu.memory_space<vmem>> -> memref<80xi32, #tpu.memory_space<vmem>>
        %dma_start3A_41 = arith.constant 0 : i32
        %dma_start3A_42 = arith.constant 0 : i32
        %dma_start3A_43 = tpu.memref_slice %arg8[%dma_start3A_41, %dma_start3A_42] : memref<50048x16xf32, #tpu.memory_space<vmem_shared>> -> memref<50048x16xf32, #tpu.memory_space<vmem_shared>>
        tpu.enqueue_indirect_dma source(%dma_start3A_37 : memref<80x16xf32, #tpu.memory_space<vmem>>) target(%dma_start3A_43 : memref<50048x16xf32, #tpu.memory_space<vmem_shared>>) offsets(%dma_start3A_40 : memref<80xi32, #tpu.memory_space<vmem>>) semaphore(%run_scoped3A_35 : memref<!tpu.dma_semaphore, #tpu.memory_space<semaphore_mem>>) {add = true}
        %dma_wait3A = arith.constant 400 : i32
        %dma_wait3A_44 = arith.constant 0 : i32
        %dma_wait3A_45 = tpu.memref_slice %arg7[%dma_wait3A, %dma_wait3A_44] : memref<640x16xf32, #tpu.memory_space<vmem>> -> memref<80x16xf32, #tpu.memory_space<vmem>>
        %dma_wait3A_46 = arith.constant 0 : i32
        %dma_wait3A_47 = tpu.memref_slice %arg6[%run_scoped3A_32, %dma_wait3A_46] : memref<8x80xi32, #tpu.memory_space<vmem>> -> memref<1x80xi32, #tpu.memory_space<vmem>>
        %dma_wait3A_48 = tpu.memref_squeeze %dma_wait3A_47 : memref<1x80xi32, #tpu.memory_space<vmem>> -> memref<80xi32, #tpu.memory_space<vmem>>
        %dma_wait3A_49 = arith.constant 0 : i32
        %dma_wait3A_50 = arith.constant 0 : i32
        %dma_wait3A_51 = tpu.memref_slice %arg8[%dma_wait3A_49, %dma_wait3A_50] : memref<50048x16xf32, #tpu.memory_space<vmem_shared>> -> memref<50048x16xf32, #tpu.memory_space<vmem_shared>>
        tpu.wait_indirect_dma semaphore(%run_scoped3A_35 : memref<!tpu.dma_semaphore, #tpu.memory_space<semaphore_mem>>) src(%dma_wait3A_45 : memref<80x16xf32, #tpu.memory_space<vmem>>) dst(%dma_wait3A_51 : memref<50048x16xf32, #tpu.memory_space<vmem_shared>>)
        tpu.yield
      }) : () -> ()
      %run_scoped3A_33 = arith.constant 6 : i32
      "tpu.region"() ({
        %run_scoped3A_35 = tpu.sem_alloc : memref<!tpu.dma_semaphore, #tpu.memory_space<semaphore_mem>>
        %dma_start3A = arith.constant 480 : i32
        %dma_start3A_36 = arith.constant 0 : i32
        %dma_start3A_37 = tpu.memref_slice %arg7[%dma_start3A, %dma_start3A_36] : memref<640x16xf32, #tpu.memory_space<vmem>> -> memref<80x16xf32, #tpu.memory_space<vmem>>
        %dma_start3A_38 = arith.constant 0 : i32
        %dma_start3A_39 = tpu.memref_slice %arg6[%run_scoped3A_33, %dma_start3A_38] : memref<8x80xi32, #tpu.memory_space<vmem>> -> memref<1x80xi32, #tpu.memory_space<vmem>>
        %dma_start3A_40 = tpu.memref_squeeze %dma_start3A_39 : memref<1x80xi32, #tpu.memory_space<vmem>> -> memref<80xi32, #tpu.memory_space<vmem>>
        %dma_start3A_41 = arith.constant 0 : i32
        %dma_start3A_42 = arith.constant 0 : i32
        %dma_start3A_43 = tpu.memref_slice %arg8[%dma_start3A_41, %dma_start3A_42] : memref<50048x16xf32, #tpu.memory_space<vmem_shared>> -> memref<50048x16xf32, #tpu.memory_space<vmem_shared>>
        tpu.enqueue_indirect_dma source(%dma_start3A_37 : memref<80x16xf32, #tpu.memory_space<vmem>>) target(%dma_start3A_43 : memref<50048x16xf32, #tpu.memory_space<vmem_shared>>) offsets(%dma_start3A_40 : memref<80xi32, #tpu.memory_space<vmem>>) semaphore(%run_scoped3A_35 : memref<!tpu.dma_semaphore, #tpu.memory_space<semaphore_mem>>) {add = true}
        %dma_wait3A = arith.constant 480 : i32
        %dma_wait3A_44 = arith.constant 0 : i32
        %dma_wait3A_45 = tpu.memref_slice %arg7[%dma_wait3A, %dma_wait3A_44] : memref<640x16xf32, #tpu.memory_space<vmem>> -> memref<80x16xf32, #tpu.memory_space<vmem>>
        %dma_wait3A_46 = arith.constant 0 : i32
        %dma_wait3A_47 = tpu.memref_slice %arg6[%run_scoped3A_33, %dma_wait3A_46] : memref<8x80xi32, #tpu.memory_space<vmem>> -> memref<1x80xi32, #tpu.memory_space<vmem>>
        %dma_wait3A_48 = tpu.memref_squeeze %dma_wait3A_47 : memref<1x80xi32, #tpu.memory_space<vmem>> -> memref<80xi32, #tpu.memory_space<vmem>>
        %dma_wait3A_49 = arith.constant 0 : i32
        %dma_wait3A_50 = arith.constant 0 : i32
        %dma_wait3A_51 = tpu.memref_slice %arg8[%dma_wait3A_49, %dma_wait3A_50] : memref<50048x16xf32, #tpu.memory_space<vmem_shared>> -> memref<50048x16xf32, #tpu.memory_space<vmem_shared>>
        tpu.wait_indirect_dma semaphore(%run_scoped3A_35 : memref<!tpu.dma_semaphore, #tpu.memory_space<semaphore_mem>>) src(%dma_wait3A_45 : memref<80x16xf32, #tpu.memory_space<vmem>>) dst(%dma_wait3A_51 : memref<50048x16xf32, #tpu.memory_space<vmem_shared>>)
        tpu.yield
      }) : () -> ()
      %run_scoped3A_34 = arith.constant 7 : i32
      "tpu.region"() ({
        %run_scoped3A_35 = tpu.sem_alloc : memref<!tpu.dma_semaphore, #tpu.memory_space<semaphore_mem>>
        %dma_start3A = arith.constant 560 : i32
        %dma_start3A_36 = arith.constant 0 : i32
        %dma_start3A_37 = tpu.memref_slice %arg7[%dma_start3A, %dma_start3A_36] : memref<640x16xf32, #tpu.memory_space<vmem>> -> memref<80x16xf32, #tpu.memory_space<vmem>>
        %dma_start3A_38 = arith.constant 0 : i32
        %dma_start3A_39 = tpu.memref_slice %arg6[%run_scoped3A_34, %dma_start3A_38] : memref<8x80xi32, #tpu.memory_space<vmem>> -> memref<1x80xi32, #tpu.memory_space<vmem>>
        %dma_start3A_40 = tpu.memref_squeeze %dma_start3A_39 : memref<1x80xi32, #tpu.memory_space<vmem>> -> memref<80xi32, #tpu.memory_space<vmem>>
        %dma_start3A_41 = arith.constant 0 : i32
        %dma_start3A_42 = arith.constant 0 : i32
        %dma_start3A_43 = tpu.memref_slice %arg8[%dma_start3A_41, %dma_start3A_42] : memref<50048x16xf32, #tpu.memory_space<vmem_shared>> -> memref<50048x16xf32, #tpu.memory_space<vmem_shared>>
        tpu.enqueue_indirect_dma source(%dma_start3A_37 : memref<80x16xf32, #tpu.memory_space<vmem>>) target(%dma_start3A_43 : memref<50048x16xf32, #tpu.memory_space<vmem_shared>>) offsets(%dma_start3A_40 : memref<80xi32, #tpu.memory_space<vmem>>) semaphore(%run_scoped3A_35 : memref<!tpu.dma_semaphore, #tpu.memory_space<semaphore_mem>>) {add = true}
        %dma_wait3A = arith.constant 560 : i32
        %dma_wait3A_44 = arith.constant 0 : i32
        %dma_wait3A_45 = tpu.memref_slice %arg7[%dma_wait3A, %dma_wait3A_44] : memref<640x16xf32, #tpu.memory_space<vmem>> -> memref<80x16xf32, #tpu.memory_space<vmem>>
        %dma_wait3A_46 = arith.constant 0 : i32
        %dma_wait3A_47 = tpu.memref_slice %arg6[%run_scoped3A_34, %dma_wait3A_46] : memref<8x80xi32, #tpu.memory_space<vmem>> -> memref<1x80xi32, #tpu.memory_space<vmem>>
        %dma_wait3A_48 = tpu.memref_squeeze %dma_wait3A_47 : memref<1x80xi32, #tpu.memory_space<vmem>> -> memref<80xi32, #tpu.memory_space<vmem>>
        %dma_wait3A_49 = arith.constant 0 : i32
        %dma_wait3A_50 = arith.constant 0 : i32
        %dma_wait3A_51 = tpu.memref_slice %arg8[%dma_wait3A_49, %dma_wait3A_50] : memref<50048x16xf32, #tpu.memory_space<vmem_shared>> -> memref<50048x16xf32, #tpu.memory_space<vmem_shared>>
        tpu.wait_indirect_dma semaphore(%run_scoped3A_35 : memref<!tpu.dma_semaphore, #tpu.memory_space<semaphore_mem>>) src(%dma_wait3A_45 : memref<80x16xf32, #tpu.memory_space<vmem>>) dst(%dma_wait3A_51 : memref<50048x16xf32, #tpu.memory_space<vmem_shared>>)
        tpu.yield
      }) : () -> ()
    }
    %scan3A_8 = arith.constant 38 : i32
    %lt3A = arith.constant 24 : i32
    %lt3A_9 = arith.cmpi slt, %add3A, %lt3A : i32
    %convert_element_type3A = arith.extui %lt3A_9 : i1 to i32
    %cond3A = arith.constant 0 : i32
    %cond3A_10 = arith.cmpi ne, %convert_element_type3A, %cond3A : i32
    scf.if %cond3A_10 {
      %add3A_16 = arith.constant 1216 : i32
      %add3A_17 = arith.addi %add3A_16, %add3A : i32
      %mul3A_18 = arith.constant 8 : i32
      %mul3A_19 = arith.muli %add3A_17, %mul3A_18 : i32
      "tpu.region"() ({
        %run_scoped3A_29 = tpu.sem_alloc : memref<!tpu.dma_semaphore, #tpu.memory_space<semaphore_mem>>
        %dma_start3A = arith.constant 0 : i32
        %dma_start3A_30 = tpu.memref_slice %arg2[%mul3A_19, %dma_start3A] : memref<9920x80xi32, #tpu.memory_space<hbm>> -> memref<8x80xi32, #tpu.memory_space<hbm>>
        %dma_start3A_31 = arith.constant 0 : i32
        %dma_start3A_32 = tpu.memref_slice %arg2[%mul3A_19, %dma_start3A_31] : memref<9920x80xi32, #tpu.memory_space<hbm>> -> memref<8x80xi32, #tpu.memory_space<hbm>>
        tpu.enqueue_dma source(%dma_start3A_32 : memref<8x80xi32, #tpu.memory_space<hbm>>) target(%arg6 : memref<8x80xi32, #tpu.memory_space<vmem>>) target_semaphore(%run_scoped3A_29 : memref<!tpu.dma_semaphore, #tpu.memory_space<semaphore_mem>>)
        %dma_wait3A = arith.constant 0 : i32
        %dma_wait3A_33 = tpu.memref_slice %arg2[%mul3A_19, %dma_wait3A] : memref<9920x80xi32, #tpu.memory_space<hbm>> -> memref<8x80xi32, #tpu.memory_space<hbm>>
        %dma_wait3A_34 = arith.constant 0 : i32
        %dma_wait3A_35 = tpu.memref_slice %arg2[%mul3A_19, %dma_wait3A_34] : memref<9920x80xi32, #tpu.memory_space<hbm>> -> memref<8x80xi32, #tpu.memory_space<hbm>>
        tpu.wait_dma2 semaphore(%run_scoped3A_29 : memref<!tpu.dma_semaphore, #tpu.memory_space<semaphore_mem>>) src(%dma_wait3A_35 : memref<8x80xi32, #tpu.memory_space<hbm>>) dst(%arg6 : memref<8x80xi32, #tpu.memory_space<vmem>>)
        tpu.yield
      }) : () -> ()
      %mul3A_20 = arith.constant 640 : i32
      %mul3A_21 = arith.muli %add3A_17, %mul3A_20 : i32
      "tpu.region"() ({
        %run_scoped3A_29 = tpu.sem_alloc : memref<!tpu.dma_semaphore, #tpu.memory_space<semaphore_mem>>
        %dma_start3A = arith.constant 0 : i32
        %dma_start3A_30 = tpu.memref_slice %arg3[%mul3A_21, %dma_start3A] : memref<793600x16xf32, #tpu.memory_space<hbm>> -> memref<640x16xf32, #tpu.memory_space<hbm>>
        %dma_start3A_31 = arith.constant 0 : i32
        %dma_start3A_32 = tpu.memref_slice %arg3[%mul3A_21, %dma_start3A_31] : memref<793600x16xf32, #tpu.memory_space<hbm>> -> memref<640x16xf32, #tpu.memory_space<hbm>>
        tpu.enqueue_dma source(%dma_start3A_32 : memref<640x16xf32, #tpu.memory_space<hbm>>) target(%arg7 : memref<640x16xf32, #tpu.memory_space<vmem>>) target_semaphore(%run_scoped3A_29 : memref<!tpu.dma_semaphore, #tpu.memory_space<semaphore_mem>>)
        %dma_wait3A = arith.constant 0 : i32
        %dma_wait3A_33 = tpu.memref_slice %arg3[%mul3A_21, %dma_wait3A] : memref<793600x16xf32, #tpu.memory_space<hbm>> -> memref<640x16xf32, #tpu.memory_space<hbm>>
        %dma_wait3A_34 = arith.constant 0 : i32
        %dma_wait3A_35 = tpu.memref_slice %arg3[%mul3A_21, %dma_wait3A_34] : memref<793600x16xf32, #tpu.memory_space<hbm>> -> memref<640x16xf32, #tpu.memory_space<hbm>>
        tpu.wait_dma2 semaphore(%run_scoped3A_29 : memref<!tpu.dma_semaphore, #tpu.memory_space<semaphore_mem>>) src(%dma_wait3A_35 : memref<640x16xf32, #tpu.memory_space<hbm>>) dst(%arg7 : memref<640x16xf32, #tpu.memory_space<vmem>>)
        tpu.yield
      }) : () -> ()
      %run_scoped3A = arith.constant 0 : i32
      "tpu.region"() ({
        %run_scoped3A_29 = tpu.sem_alloc : memref<!tpu.dma_semaphore, #tpu.memory_space<semaphore_mem>>
        %dma_start3A = arith.constant 0 : i32
        %dma_start3A_30 = arith.constant 0 : i32
        %dma_start3A_31 = tpu.memref_slice %arg7[%dma_start3A, %dma_start3A_30] : memref<640x16xf32, #tpu.memory_space<vmem>> -> memref<80x16xf32, #tpu.memory_space<vmem>>
        %dma_start3A_32 = arith.constant 0 : i32
        %dma_start3A_33 = tpu.memref_slice %arg6[%run_scoped3A, %dma_start3A_32] : memref<8x80xi32, #tpu.memory_space<vmem>> -> memref<1x80xi32, #tpu.memory_space<vmem>>
        %dma_start3A_34 = tpu.memref_squeeze %dma_start3A_33 : memref<1x80xi32, #tpu.memory_space<vmem>> -> memref<80xi32, #tpu.memory_space<vmem>>
        %dma_start3A_35 = arith.constant 0 : i32
        %dma_start3A_36 = arith.constant 0 : i32
        %dma_start3A_37 = tpu.memref_slice %arg8[%dma_start3A_35, %dma_start3A_36] : memref<50048x16xf32, #tpu.memory_space<vmem_shared>> -> memref<50048x16xf32, #tpu.memory_space<vmem_shared>>
        tpu.enqueue_indirect_dma source(%dma_start3A_31 : memref<80x16xf32, #tpu.memory_space<vmem>>) target(%dma_start3A_37 : memref<50048x16xf32, #tpu.memory_space<vmem_shared>>) offsets(%dma_start3A_34 : memref<80xi32, #tpu.memory_space<vmem>>) semaphore(%run_scoped3A_29 : memref<!tpu.dma_semaphore, #tpu.memory_space<semaphore_mem>>) {add = true}
        %dma_wait3A = arith.constant 0 : i32
        %dma_wait3A_38 = arith.constant 0 : i32
        %dma_wait3A_39 = tpu.memref_slice %arg7[%dma_wait3A, %dma_wait3A_38] : memref<640x16xf32, #tpu.memory_space<vmem>> -> memref<80x16xf32, #tpu.memory_space<vmem>>
        %dma_wait3A_40 = arith.constant 0 : i32
        %dma_wait3A_41 = tpu.memref_slice %arg6[%run_scoped3A, %dma_wait3A_40] : memref<8x80xi32, #tpu.memory_space<vmem>> -> memref<1x80xi32, #tpu.memory_space<vmem>>
        %dma_wait3A_42 = tpu.memref_squeeze %dma_wait3A_41 : memref<1x80xi32, #tpu.memory_space<vmem>> -> memref<80xi32, #tpu.memory_space<vmem>>
        %dma_wait3A_43 = arith.constant 0 : i32
        %dma_wait3A_44 = arith.constant 0 : i32
        %dma_wait3A_45 = tpu.memref_slice %arg8[%dma_wait3A_43, %dma_wait3A_44] : memref<50048x16xf32, #tpu.memory_space<vmem_shared>> -> memref<50048x16xf32, #tpu.memory_space<vmem_shared>>
        tpu.wait_indirect_dma semaphore(%run_scoped3A_29 : memref<!tpu.dma_semaphore, #tpu.memory_space<semaphore_mem>>) src(%dma_wait3A_39 : memref<80x16xf32, #tpu.memory_space<vmem>>) dst(%dma_wait3A_45 : memref<50048x16xf32, #tpu.memory_space<vmem_shared>>)
        tpu.yield
      }) : () -> ()
      %run_scoped3A_22 = arith.constant 1 : i32
      "tpu.region"() ({
        %run_scoped3A_29 = tpu.sem_alloc : memref<!tpu.dma_semaphore, #tpu.memory_space<semaphore_mem>>
        %dma_start3A = arith.constant 80 : i32
        %dma_start3A_30 = arith.constant 0 : i32
        %dma_start3A_31 = tpu.memref_slice %arg7[%dma_start3A, %dma_start3A_30] : memref<640x16xf32, #tpu.memory_space<vmem>> -> memref<80x16xf32, #tpu.memory_space<vmem>>
        %dma_start3A_32 = arith.constant 0 : i32
        %dma_start3A_33 = tpu.memref_slice %arg6[%run_scoped3A_22, %dma_start3A_32] : memref<8x80xi32, #tpu.memory_space<vmem>> -> memref<1x80xi32, #tpu.memory_space<vmem>>
        %dma_start3A_34 = tpu.memref_squeeze %dma_start3A_33 : memref<1x80xi32, #tpu.memory_space<vmem>> -> memref<80xi32, #tpu.memory_space<vmem>>
        %dma_start3A_35 = arith.constant 0 : i32
        %dma_start3A_36 = arith.constant 0 : i32
        %dma_start3A_37 = tpu.memref_slice %arg8[%dma_start3A_35, %dma_start3A_36] : memref<50048x16xf32, #tpu.memory_space<vmem_shared>> -> memref<50048x16xf32, #tpu.memory_space<vmem_shared>>
        tpu.enqueue_indirect_dma source(%dma_start3A_31 : memref<80x16xf32, #tpu.memory_space<vmem>>) target(%dma_start3A_37 : memref<50048x16xf32, #tpu.memory_space<vmem_shared>>) offsets(%dma_start3A_34 : memref<80xi32, #tpu.memory_space<vmem>>) semaphore(%run_scoped3A_29 : memref<!tpu.dma_semaphore, #tpu.memory_space<semaphore_mem>>) {add = true}
        %dma_wait3A = arith.constant 80 : i32
        %dma_wait3A_38 = arith.constant 0 : i32
        %dma_wait3A_39 = tpu.memref_slice %arg7[%dma_wait3A, %dma_wait3A_38] : memref<640x16xf32, #tpu.memory_space<vmem>> -> memref<80x16xf32, #tpu.memory_space<vmem>>
        %dma_wait3A_40 = arith.constant 0 : i32
        %dma_wait3A_41 = tpu.memref_slice %arg6[%run_scoped3A_22, %dma_wait3A_40] : memref<8x80xi32, #tpu.memory_space<vmem>> -> memref<1x80xi32, #tpu.memory_space<vmem>>
        %dma_wait3A_42 = tpu.memref_squeeze %dma_wait3A_41 : memref<1x80xi32, #tpu.memory_space<vmem>> -> memref<80xi32, #tpu.memory_space<vmem>>
        %dma_wait3A_43 = arith.constant 0 : i32
        %dma_wait3A_44 = arith.constant 0 : i32
        %dma_wait3A_45 = tpu.memref_slice %arg8[%dma_wait3A_43, %dma_wait3A_44] : memref<50048x16xf32, #tpu.memory_space<vmem_shared>> -> memref<50048x16xf32, #tpu.memory_space<vmem_shared>>
        tpu.wait_indirect_dma semaphore(%run_scoped3A_29 : memref<!tpu.dma_semaphore, #tpu.memory_space<semaphore_mem>>) src(%dma_wait3A_39 : memref<80x16xf32, #tpu.memory_space<vmem>>) dst(%dma_wait3A_45 : memref<50048x16xf32, #tpu.memory_space<vmem_shared>>)
        tpu.yield
      }) : () -> ()
      %run_scoped3A_23 = arith.constant 2 : i32
      "tpu.region"() ({
        %run_scoped3A_29 = tpu.sem_alloc : memref<!tpu.dma_semaphore, #tpu.memory_space<semaphore_mem>>
        %dma_start3A = arith.constant 160 : i32
        %dma_start3A_30 = arith.constant 0 : i32
        %dma_start3A_31 = tpu.memref_slice %arg7[%dma_start3A, %dma_start3A_30] : memref<640x16xf32, #tpu.memory_space<vmem>> -> memref<80x16xf32, #tpu.memory_space<vmem>>
        %dma_start3A_32 = arith.constant 0 : i32
        %dma_start3A_33 = tpu.memref_slice %arg6[%run_scoped3A_23, %dma_start3A_32] : memref<8x80xi32, #tpu.memory_space<vmem>> -> memref<1x80xi32, #tpu.memory_space<vmem>>
        %dma_start3A_34 = tpu.memref_squeeze %dma_start3A_33 : memref<1x80xi32, #tpu.memory_space<vmem>> -> memref<80xi32, #tpu.memory_space<vmem>>
        %dma_start3A_35 = arith.constant 0 : i32
        %dma_start3A_36 = arith.constant 0 : i32
        %dma_start3A_37 = tpu.memref_slice %arg8[%dma_start3A_35, %dma_start3A_36] : memref<50048x16xf32, #tpu.memory_space<vmem_shared>> -> memref<50048x16xf32, #tpu.memory_space<vmem_shared>>
        tpu.enqueue_indirect_dma source(%dma_start3A_31 : memref<80x16xf32, #tpu.memory_space<vmem>>) target(%dma_start3A_37 : memref<50048x16xf32, #tpu.memory_space<vmem_shared>>) offsets(%dma_start3A_34 : memref<80xi32, #tpu.memory_space<vmem>>) semaphore(%run_scoped3A_29 : memref<!tpu.dma_semaphore, #tpu.memory_space<semaphore_mem>>) {add = true}
        %dma_wait3A = arith.constant 160 : i32
        %dma_wait3A_38 = arith.constant 0 : i32
        %dma_wait3A_39 = tpu.memref_slice %arg7[%dma_wait3A, %dma_wait3A_38] : memref<640x16xf32, #tpu.memory_space<vmem>> -> memref<80x16xf32, #tpu.memory_space<vmem>>
        %dma_wait3A_40 = arith.constant 0 : i32
        %dma_wait3A_41 = tpu.memref_slice %arg6[%run_scoped3A_23, %dma_wait3A_40] : memref<8x80xi32, #tpu.memory_space<vmem>> -> memref<1x80xi32, #tpu.memory_space<vmem>>
        %dma_wait3A_42 = tpu.memref_squeeze %dma_wait3A_41 : memref<1x80xi32, #tpu.memory_space<vmem>> -> memref<80xi32, #tpu.memory_space<vmem>>
        %dma_wait3A_43 = arith.constant 0 : i32
        %dma_wait3A_44 = arith.constant 0 : i32
        %dma_wait3A_45 = tpu.memref_slice %arg8[%dma_wait3A_43, %dma_wait3A_44] : memref<50048x16xf32, #tpu.memory_space<vmem_shared>> -> memref<50048x16xf32, #tpu.memory_space<vmem_shared>>
        tpu.wait_indirect_dma semaphore(%run_scoped3A_29 : memref<!tpu.dma_semaphore, #tpu.memory_space<semaphore_mem>>) src(%dma_wait3A_39 : memref<80x16xf32, #tpu.memory_space<vmem>>) dst(%dma_wait3A_45 : memref<50048x16xf32, #tpu.memory_space<vmem_shared>>)
        tpu.yield
      }) : () -> ()
      %run_scoped3A_24 = arith.constant 3 : i32
      "tpu.region"() ({
        %run_scoped3A_29 = tpu.sem_alloc : memref<!tpu.dma_semaphore, #tpu.memory_space<semaphore_mem>>
        %dma_start3A = arith.constant 240 : i32
        %dma_start3A_30 = arith.constant 0 : i32
        %dma_start3A_31 = tpu.memref_slice %arg7[%dma_start3A, %dma_start3A_30] : memref<640x16xf32, #tpu.memory_space<vmem>> -> memref<80x16xf32, #tpu.memory_space<vmem>>
        %dma_start3A_32 = arith.constant 0 : i32
        %dma_start3A_33 = tpu.memref_slice %arg6[%run_scoped3A_24, %dma_start3A_32] : memref<8x80xi32, #tpu.memory_space<vmem>> -> memref<1x80xi32, #tpu.memory_space<vmem>>
        %dma_start3A_34 = tpu.memref_squeeze %dma_start3A_33 : memref<1x80xi32, #tpu.memory_space<vmem>> -> memref<80xi32, #tpu.memory_space<vmem>>
        %dma_start3A_35 = arith.constant 0 : i32
        %dma_start3A_36 = arith.constant 0 : i32
        %dma_start3A_37 = tpu.memref_slice %arg8[%dma_start3A_35, %dma_start3A_36] : memref<50048x16xf32, #tpu.memory_space<vmem_shared>> -> memref<50048x16xf32, #tpu.memory_space<vmem_shared>>
        tpu.enqueue_indirect_dma source(%dma_start3A_31 : memref<80x16xf32, #tpu.memory_space<vmem>>) target(%dma_start3A_37 : memref<50048x16xf32, #tpu.memory_space<vmem_shared>>) offsets(%dma_start3A_34 : memref<80xi32, #tpu.memory_space<vmem>>) semaphore(%run_scoped3A_29 : memref<!tpu.dma_semaphore, #tpu.memory_space<semaphore_mem>>) {add = true}
        %dma_wait3A = arith.constant 240 : i32
        %dma_wait3A_38 = arith.constant 0 : i32
        %dma_wait3A_39 = tpu.memref_slice %arg7[%dma_wait3A, %dma_wait3A_38] : memref<640x16xf32, #tpu.memory_space<vmem>> -> memref<80x16xf32, #tpu.memory_space<vmem>>
        %dma_wait3A_40 = arith.constant 0 : i32
        %dma_wait3A_41 = tpu.memref_slice %arg6[%run_scoped3A_24, %dma_wait3A_40] : memref<8x80xi32, #tpu.memory_space<vmem>> -> memref<1x80xi32, #tpu.memory_space<vmem>>
        %dma_wait3A_42 = tpu.memref_squeeze %dma_wait3A_41 : memref<1x80xi32, #tpu.memory_space<vmem>> -> memref<80xi32, #tpu.memory_space<vmem>>
        %dma_wait3A_43 = arith.constant 0 : i32
        %dma_wait3A_44 = arith.constant 0 : i32
        %dma_wait3A_45 = tpu.memref_slice %arg8[%dma_wait3A_43, %dma_wait3A_44] : memref<50048x16xf32, #tpu.memory_space<vmem_shared>> -> memref<50048x16xf32, #tpu.memory_space<vmem_shared>>
        tpu.wait_indirect_dma semaphore(%run_scoped3A_29 : memref<!tpu.dma_semaphore, #tpu.memory_space<semaphore_mem>>) src(%dma_wait3A_39 : memref<80x16xf32, #tpu.memory_space<vmem>>) dst(%dma_wait3A_45 : memref<50048x16xf32, #tpu.memory_space<vmem_shared>>)
        tpu.yield
      }) : () -> ()
      %run_scoped3A_25 = arith.constant 4 : i32
      "tpu.region"() ({
        %run_scoped3A_29 = tpu.sem_alloc : memref<!tpu.dma_semaphore, #tpu.memory_space<semaphore_mem>>
        %dma_start3A = arith.constant 320 : i32
        %dma_start3A_30 = arith.constant 0 : i32
        %dma_start3A_31 = tpu.memref_slice %arg7[%dma_start3A, %dma_start3A_30] : memref<640x16xf32, #tpu.memory_space<vmem>> -> memref<80x16xf32, #tpu.memory_space<vmem>>
        %dma_start3A_32 = arith.constant 0 : i32
        %dma_start3A_33 = tpu.memref_slice %arg6[%run_scoped3A_25, %dma_start3A_32] : memref<8x80xi32, #tpu.memory_space<vmem>> -> memref<1x80xi32, #tpu.memory_space<vmem>>
        %dma_start3A_34 = tpu.memref_squeeze %dma_start3A_33 : memref<1x80xi32, #tpu.memory_space<vmem>> -> memref<80xi32, #tpu.memory_space<vmem>>
        %dma_start3A_35 = arith.constant 0 : i32
        %dma_start3A_36 = arith.constant 0 : i32
        %dma_start3A_37 = tpu.memref_slice %arg8[%dma_start3A_35, %dma_start3A_36] : memref<50048x16xf32, #tpu.memory_space<vmem_shared>> -> memref<50048x16xf32, #tpu.memory_space<vmem_shared>>
        tpu.enqueue_indirect_dma source(%dma_start3A_31 : memref<80x16xf32, #tpu.memory_space<vmem>>) target(%dma_start3A_37 : memref<50048x16xf32, #tpu.memory_space<vmem_shared>>) offsets(%dma_start3A_34 : memref<80xi32, #tpu.memory_space<vmem>>) semaphore(%run_scoped3A_29 : memref<!tpu.dma_semaphore, #tpu.memory_space<semaphore_mem>>) {add = true}
        %dma_wait3A = arith.constant 320 : i32
        %dma_wait3A_38 = arith.constant 0 : i32
        %dma_wait3A_39 = tpu.memref_slice %arg7[%dma_wait3A, %dma_wait3A_38] : memref<640x16xf32, #tpu.memory_space<vmem>> -> memref<80x16xf32, #tpu.memory_space<vmem>>
        %dma_wait3A_40 = arith.constant 0 : i32
        %dma_wait3A_41 = tpu.memref_slice %arg6[%run_scoped3A_25, %dma_wait3A_40] : memref<8x80xi32, #tpu.memory_space<vmem>> -> memref<1x80xi32, #tpu.memory_space<vmem>>
        %dma_wait3A_42 = tpu.memref_squeeze %dma_wait3A_41 : memref<1x80xi32, #tpu.memory_space<vmem>> -> memref<80xi32, #tpu.memory_space<vmem>>
        %dma_wait3A_43 = arith.constant 0 : i32
        %dma_wait3A_44 = arith.constant 0 : i32
        %dma_wait3A_45 = tpu.memref_slice %arg8[%dma_wait3A_43, %dma_wait3A_44] : memref<50048x16xf32, #tpu.memory_space<vmem_shared>> -> memref<50048x16xf32, #tpu.memory_space<vmem_shared>>
        tpu.wait_indirect_dma semaphore(%run_scoped3A_29 : memref<!tpu.dma_semaphore, #tpu.memory_space<semaphore_mem>>) src(%dma_wait3A_39 : memref<80x16xf32, #tpu.memory_space<vmem>>) dst(%dma_wait3A_45 : memref<50048x16xf32, #tpu.memory_space<vmem_shared>>)
        tpu.yield
      }) : () -> ()
      %run_scoped3A_26 = arith.constant 5 : i32
      "tpu.region"() ({
        %run_scoped3A_29 = tpu.sem_alloc : memref<!tpu.dma_semaphore, #tpu.memory_space<semaphore_mem>>
        %dma_start3A = arith.constant 400 : i32
        %dma_start3A_30 = arith.constant 0 : i32
        %dma_start3A_31 = tpu.memref_slice %arg7[%dma_start3A, %dma_start3A_30] : memref<640x16xf32, #tpu.memory_space<vmem>> -> memref<80x16xf32, #tpu.memory_space<vmem>>
        %dma_start3A_32 = arith.constant 0 : i32
        %dma_start3A_33 = tpu.memref_slice %arg6[%run_scoped3A_26, %dma_start3A_32] : memref<8x80xi32, #tpu.memory_space<vmem>> -> memref<1x80xi32, #tpu.memory_space<vmem>>
        %dma_start3A_34 = tpu.memref_squeeze %dma_start3A_33 : memref<1x80xi32, #tpu.memory_space<vmem>> -> memref<80xi32, #tpu.memory_space<vmem>>
        %dma_start3A_35 = arith.constant 0 : i32
        %dma_start3A_36 = arith.constant 0 : i32
        %dma_start3A_37 = tpu.memref_slice %arg8[%dma_start3A_35, %dma_start3A_36] : memref<50048x16xf32, #tpu.memory_space<vmem_shared>> -> memref<50048x16xf32, #tpu.memory_space<vmem_shared>>
        tpu.enqueue_indirect_dma source(%dma_start3A_31 : memref<80x16xf32, #tpu.memory_space<vmem>>) target(%dma_start3A_37 : memref<50048x16xf32, #tpu.memory_space<vmem_shared>>) offsets(%dma_start3A_34 : memref<80xi32, #tpu.memory_space<vmem>>) semaphore(%run_scoped3A_29 : memref<!tpu.dma_semaphore, #tpu.memory_space<semaphore_mem>>) {add = true}
        %dma_wait3A = arith.constant 400 : i32
        %dma_wait3A_38 = arith.constant 0 : i32
        %dma_wait3A_39 = tpu.memref_slice %arg7[%dma_wait3A, %dma_wait3A_38] : memref<640x16xf32, #tpu.memory_space<vmem>> -> memref<80x16xf32, #tpu.memory_space<vmem>>
        %dma_wait3A_40 = arith.constant 0 : i32
        %dma_wait3A_41 = tpu.memref_slice %arg6[%run_scoped3A_26, %dma_wait3A_40] : memref<8x80xi32, #tpu.memory_space<vmem>> -> memref<1x80xi32, #tpu.memory_space<vmem>>
        %dma_wait3A_42 = tpu.memref_squeeze %dma_wait3A_41 : memref<1x80xi32, #tpu.memory_space<vmem>> -> memref<80xi32, #tpu.memory_space<vmem>>
        %dma_wait3A_43 = arith.constant 0 : i32
        %dma_wait3A_44 = arith.constant 0 : i32
        %dma_wait3A_45 = tpu.memref_slice %arg8[%dma_wait3A_43, %dma_wait3A_44] : memref<50048x16xf32, #tpu.memory_space<vmem_shared>> -> memref<50048x16xf32, #tpu.memory_space<vmem_shared>>
        tpu.wait_indirect_dma semaphore(%run_scoped3A_29 : memref<!tpu.dma_semaphore, #tpu.memory_space<semaphore_mem>>) src(%dma_wait3A_39 : memref<80x16xf32, #tpu.memory_space<vmem>>) dst(%dma_wait3A_45 : memref<50048x16xf32, #tpu.memory_space<vmem_shared>>)
        tpu.yield
      }) : () -> ()
      %run_scoped3A_27 = arith.constant 6 : i32
      "tpu.region"() ({
        %run_scoped3A_29 = tpu.sem_alloc : memref<!tpu.dma_semaphore, #tpu.memory_space<semaphore_mem>>
        %dma_start3A = arith.constant 480 : i32
        %dma_start3A_30 = arith.constant 0 : i32
        %dma_start3A_31 = tpu.memref_slice %arg7[%dma_start3A, %dma_start3A_30] : memref<640x16xf32, #tpu.memory_space<vmem>> -> memref<80x16xf32, #tpu.memory_space<vmem>>
        %dma_start3A_32 = arith.constant 0 : i32
        %dma_start3A_33 = tpu.memref_slice %arg6[%run_scoped3A_27, %dma_start3A_32] : memref<8x80xi32, #tpu.memory_space<vmem>> -> memref<1x80xi32, #tpu.memory_space<vmem>>
        %dma_start3A_34 = tpu.memref_squeeze %dma_start3A_33 : memref<1x80xi32, #tpu.memory_space<vmem>> -> memref<80xi32, #tpu.memory_space<vmem>>
        %dma_start3A_35 = arith.constant 0 : i32
        %dma_start3A_36 = arith.constant 0 : i32
        %dma_start3A_37 = tpu.memref_slice %arg8[%dma_start3A_35, %dma_start3A_36] : memref<50048x16xf32, #tpu.memory_space<vmem_shared>> -> memref<50048x16xf32, #tpu.memory_space<vmem_shared>>
        tpu.enqueue_indirect_dma source(%dma_start3A_31 : memref<80x16xf32, #tpu.memory_space<vmem>>) target(%dma_start3A_37 : memref<50048x16xf32, #tpu.memory_space<vmem_shared>>) offsets(%dma_start3A_34 : memref<80xi32, #tpu.memory_space<vmem>>) semaphore(%run_scoped3A_29 : memref<!tpu.dma_semaphore, #tpu.memory_space<semaphore_mem>>) {add = true}
        %dma_wait3A = arith.constant 480 : i32
        %dma_wait3A_38 = arith.constant 0 : i32
        %dma_wait3A_39 = tpu.memref_slice %arg7[%dma_wait3A, %dma_wait3A_38] : memref<640x16xf32, #tpu.memory_space<vmem>> -> memref<80x16xf32, #tpu.memory_space<vmem>>
        %dma_wait3A_40 = arith.constant 0 : i32
        %dma_wait3A_41 = tpu.memref_slice %arg6[%run_scoped3A_27, %dma_wait3A_40] : memref<8x80xi32, #tpu.memory_space<vmem>> -> memref<1x80xi32, #tpu.memory_space<vmem>>
        %dma_wait3A_42 = tpu.memref_squeeze %dma_wait3A_41 : memref<1x80xi32, #tpu.memory_space<vmem>> -> memref<80xi32, #tpu.memory_space<vmem>>
        %dma_wait3A_43 = arith.constant 0 : i32
        %dma_wait3A_44 = arith.constant 0 : i32
        %dma_wait3A_45 = tpu.memref_slice %arg8[%dma_wait3A_43, %dma_wait3A_44] : memref<50048x16xf32, #tpu.memory_space<vmem_shared>> -> memref<50048x16xf32, #tpu.memory_space<vmem_shared>>
        tpu.wait_indirect_dma semaphore(%run_scoped3A_29 : memref<!tpu.dma_semaphore, #tpu.memory_space<semaphore_mem>>) src(%dma_wait3A_39 : memref<80x16xf32, #tpu.memory_space<vmem>>) dst(%dma_wait3A_45 : memref<50048x16xf32, #tpu.memory_space<vmem_shared>>)
        tpu.yield
      }) : () -> ()
      %run_scoped3A_28 = arith.constant 7 : i32
      "tpu.region"() ({
        %run_scoped3A_29 = tpu.sem_alloc : memref<!tpu.dma_semaphore, #tpu.memory_space<semaphore_mem>>
        %dma_start3A = arith.constant 560 : i32
        %dma_start3A_30 = arith.constant 0 : i32
        %dma_start3A_31 = tpu.memref_slice %arg7[%dma_start3A, %dma_start3A_30] : memref<640x16xf32, #tpu.memory_space<vmem>> -> memref<80x16xf32, #tpu.memory_space<vmem>>
        %dma_start3A_32 = arith.constant 0 : i32
        %dma_start3A_33 = tpu.memref_slice %arg6[%run_scoped3A_28, %dma_start3A_32] : memref<8x80xi32, #tpu.memory_space<vmem>> -> memref<1x80xi32, #tpu.memory_space<vmem>>
        %dma_start3A_34 = tpu.memref_squeeze %dma_start3A_33 : memref<1x80xi32, #tpu.memory_space<vmem>> -> memref<80xi32, #tpu.memory_space<vmem>>
        %dma_start3A_35 = arith.constant 0 : i32
        %dma_start3A_36 = arith.constant 0 : i32
        %dma_start3A_37 = tpu.memref_slice %arg8[%dma_start3A_35, %dma_start3A_36] : memref<50048x16xf32, #tpu.memory_space<vmem_shared>> -> memref<50048x16xf32, #tpu.memory_space<vmem_shared>>
        tpu.enqueue_indirect_dma source(%dma_start3A_31 : memref<80x16xf32, #tpu.memory_space<vmem>>) target(%dma_start3A_37 : memref<50048x16xf32, #tpu.memory_space<vmem_shared>>) offsets(%dma_start3A_34 : memref<80xi32, #tpu.memory_space<vmem>>) semaphore(%run_scoped3A_29 : memref<!tpu.dma_semaphore, #tpu.memory_space<semaphore_mem>>) {add = true}
        %dma_wait3A = arith.constant 560 : i32
        %dma_wait3A_38 = arith.constant 0 : i32
        %dma_wait3A_39 = tpu.memref_slice %arg7[%dma_wait3A, %dma_wait3A_38] : memref<640x16xf32, #tpu.memory_space<vmem>> -> memref<80x16xf32, #tpu.memory_space<vmem>>
        %dma_wait3A_40 = arith.constant 0 : i32
        %dma_wait3A_41 = tpu.memref_slice %arg6[%run_scoped3A_28, %dma_wait3A_40] : memref<8x80xi32, #tpu.memory_space<vmem>> -> memref<1x80xi32, #tpu.memory_space<vmem>>
        %dma_wait3A_42 = tpu.memref_squeeze %dma_wait3A_41 : memref<1x80xi32, #tpu.memory_space<vmem>> -> memref<80xi32, #tpu.memory_space<vmem>>
        %dma_wait3A_43 = arith.constant 0 : i32
        %dma_wait3A_44 = arith.constant 0 : i32
        %dma_wait3A_45 = tpu.memref_slice %arg8[%dma_wait3A_43, %dma_wait3A_44] : memref<50048x16xf32, #tpu.memory_space<vmem_shared>> -> memref<50048x16xf32, #tpu.memory_space<vmem_shared>>
        tpu.wait_indirect_dma semaphore(%run_scoped3A_29 : memref<!tpu.dma_semaphore, #tpu.memory_space<semaphore_mem>>) src(%dma_wait3A_39 : memref<80x16xf32, #tpu.memory_space<vmem>>) dst(%dma_wait3A_45 : memref<50048x16xf32, #tpu.memory_space<vmem_shared>>)
        tpu.yield
      }) : () -> ()
    } else {
    }
    %barrier3A_11 = arith.constant 0 : index
    tpu.barrier barrier_id(%barrier3A_11)
    %mul3A_12 = arith.constant 3128 : i32
    %mul3A_13 = arith.muli %arg1, %mul3A_12 : i32
    %mul3A_14 = arith.constant 3128 : i32
    %mul3A_15 = arith.muli %arg1, %mul3A_14 : i32
    "tpu.region"() ({
      %run_scoped3A = tpu.sem_alloc : memref<!tpu.dma_semaphore, #tpu.memory_space<semaphore_mem>>
      %dma_start3A = arith.constant 0 : i32
      %dma_start3A_16 = tpu.memref_slice %arg5[%arg0, %mul3A_15, %dma_start3A] : memref<2x50048x16xf32, #tpu.memory_space<hbm>> -> memref<1x3128x16xf32, #tpu.memory_space<hbm>>
      %dma_start3A_17 = tpu.memref_squeeze %dma_start3A_16 : memref<1x3128x16xf32, #tpu.memory_space<hbm>> -> memref<3128x16xf32, #tpu.memory_space<hbm>>
      %dma_start3A_18 = arith.constant 0 : i32
      %dma_start3A_19 = tpu.memref_slice %arg8[%mul3A_13, %dma_start3A_18] : memref<50048x16xf32, #tpu.memory_space<vmem_shared>> -> memref<3128x16xf32, #tpu.memory_space<vmem_shared>>
      tpu.enqueue_dma source(%dma_start3A_19 : memref<3128x16xf32, #tpu.memory_space<vmem_shared>>) target(%dma_start3A_17 : memref<3128x16xf32, #tpu.memory_space<hbm>>) target_semaphore(%run_scoped3A : memref<!tpu.dma_semaphore, #tpu.memory_space<semaphore_mem>>)
      %dma_wait3A = arith.constant 0 : i32
      %dma_wait3A_20 = tpu.memref_slice %arg5[%arg0, %mul3A_15, %dma_wait3A] : memref<2x50048x16xf32, #tpu.memory_space<hbm>> -> memref<1x3128x16xf32, #tpu.memory_space<hbm>>
      %dma_wait3A_21 = tpu.memref_squeeze %dma_wait3A_20 : memref<1x3128x16xf32, #tpu.memory_space<hbm>> -> memref<3128x16xf32, #tpu.memory_space<hbm>>
      %dma_wait3A_22 = arith.constant 0 : i32
      %dma_wait3A_23 = tpu.memref_slice %arg8[%mul3A_13, %dma_wait3A_22] : memref<50048x16xf32, #tpu.memory_space<vmem_shared>> -> memref<3128x16xf32, #tpu.memory_space<vmem_shared>>
      tpu.wait_dma2 semaphore(%run_scoped3A : memref<!tpu.dma_semaphore, #tpu.memory_space<semaphore_mem>>) src(%dma_wait3A_23 : memref<3128x16xf32, #tpu.memory_space<vmem_shared>>) dst(%dma_wait3A_21 : memref<3128x16xf32, #tpu.memory_space<hbm>>)
      tpu.yield
    }) : () -> ()
    return
  }
}

module attributes {stable_mosaic.version = 14 : i64} {
  func.func @body(%arg0: i32, %arg1: memref<16x12800xf32, #tpu.memory_space<vmem>>, %arg2: memref<1600x128xf32, #tpu.memory_space<vmem>>) attributes {dimension_semantics = [#tpu.dimension_semantics<arbitrary>], iteration_bounds = array<i64: 63>, scalar_prefetch = 0 : i64, scratch_operands = 0 : i64, tpu.core_type = #tpu.core_type<tc>, window_params = [{transform_indices = @transform_0, window_bounds = array<i64: 16, 12800>}, {transform_indices = @transform_1, window_bounds = array<i64: 1600, 128>}]} {
    %get3A = arith.constant 0 : index
    %get3A_0 = arith.constant 0 : index
    %get3A_1 = vector.load %arg1[%get3A, %get3A_0] : memref<16x12800xf32, #tpu.memory_space<vmem>>, vector<16x12800xf32>
    %transpose3A = tpu.transpose %get3A_1, [1, 0] : vector<16x12800xf32> -> vector<12800x16xf32>
    %slice3A = vector.extract_strided_slice %transpose3A {offsets = [0, 0], sizes = [1600, 16], strides = [1, 1]} : vector<12800x16xf32> to vector<1600x16xf32>
    %slice3A_2 = vector.extract_strided_slice %transpose3A {offsets = [1600, 0], sizes = [1600, 16], strides = [1, 1]} : vector<12800x16xf32> to vector<1600x16xf32>
    %slice3A_3 = vector.extract_strided_slice %transpose3A {offsets = [3200, 0], sizes = [1600, 16], strides = [1, 1]} : vector<12800x16xf32> to vector<1600x16xf32>
    %slice3A_4 = vector.extract_strided_slice %transpose3A {offsets = [4800, 0], sizes = [1600, 16], strides = [1, 1]} : vector<12800x16xf32> to vector<1600x16xf32>
    %slice3A_5 = vector.extract_strided_slice %transpose3A {offsets = [6400, 0], sizes = [1600, 16], strides = [1, 1]} : vector<12800x16xf32> to vector<1600x16xf32>
    %slice3A_6 = vector.extract_strided_slice %transpose3A {offsets = [8000, 0], sizes = [1600, 16], strides = [1, 1]} : vector<12800x16xf32> to vector<1600x16xf32>
    %slice3A_7 = vector.extract_strided_slice %transpose3A {offsets = [9600, 0], sizes = [1600, 16], strides = [1, 1]} : vector<12800x16xf32> to vector<1600x16xf32>
    %slice3A_8 = vector.extract_strided_slice %transpose3A {offsets = [11200, 0], sizes = [1600, 16], strides = [1, 1]} : vector<12800x16xf32> to vector<1600x16xf32>
    %concatenate3A = tpu.concatenate %slice3A, %slice3A_2, %slice3A_3, %slice3A_4, %slice3A_5, %slice3A_6, %slice3A_7, %slice3A_8 in 1 : vector<1600x16xf32>, vector<1600x16xf32>, vector<1600x16xf32>, vector<1600x16xf32>, vector<1600x16xf32>, vector<1600x16xf32>, vector<1600x16xf32>, vector<1600x16xf32> -> vector<1600x128xf32>
    %swap3A = arith.constant 0 : index
    %swap3A_9 = arith.constant 0 : index
    %swap3A_10 = vector.load %arg2[%swap3A, %swap3A_9] : memref<1600x128xf32, #tpu.memory_space<vmem>>, vector<1600x128xf32>
    tpu.vector_store %arg2[%swap3A, %swap3A_9], %concatenate3A {strides = array<i32>} : memref<1600x128xf32, #tpu.memory_space<vmem>>, vector<1600x128xf32>,
    return
  }
  func.func @transform_0(%arg0: i32) -> (i32, i32) {
    %add3A = arith.constant 62 : i32
    %add3A_0 = arith.addi %arg0, %add3A : i32
    %c0_i32 = arith.constant 0 : i32
    %c0_i32_1 = arith.constant 0 : i32
    return %c0_i32, %add3A_0 : i32, i32
  }
  func.func @transform_1(%arg0: i32) -> (i32, i32) {
    %c0_i32 = arith.constant 0 : i32
    %c0_i32_0 = arith.constant 0 : i32
    return %arg0, %c0_i32 : i32, i32
  }
}

module attributes {stable_mosaic.version = 14 : i64} {
  func.func @body(%arg0: i32, %arg1: memref<16x12800xf32, #tpu.memory_space<vmem>>, %arg2: memref<1600x128xf32, #tpu.memory_space<vmem>>) attributes {dimension_semantics = [#tpu.dimension_semantics<arbitrary>], iteration_bounds = array<i64: 62>, scalar_prefetch = 0 : i64, scratch_operands = 0 : i64, tpu.core_type = #tpu.core_type<tc>, window_params = [{transform_indices = @transform_0, window_bounds = array<i64: 16, 12800>}, {transform_indices = @transform_1, window_bounds = array<i64: 1600, 128>}]} {
    %get3A = arith.constant 0 : index
    %get3A_0 = arith.constant 0 : index
    %get3A_1 = vector.load %arg1[%get3A, %get3A_0] : memref<16x12800xf32, #tpu.memory_space<vmem>>, vector<16x12800xf32>
    %transpose3A = tpu.transpose %get3A_1, [1, 0] : vector<16x12800xf32> -> vector<12800x16xf32>
    %slice3A = vector.extract_strided_slice %transpose3A {offsets = [0, 0], sizes = [1600, 16], strides = [1, 1]} : vector<12800x16xf32> to vector<1600x16xf32>
    %slice3A_2 = vector.extract_strided_slice %transpose3A {offsets = [1600, 0], sizes = [1600, 16], strides = [1, 1]} : vector<12800x16xf32> to vector<1600x16xf32>
    %slice3A_3 = vector.extract_strided_slice %transpose3A {offsets = [3200, 0], sizes = [1600, 16], strides = [1, 1]} : vector<12800x16xf32> to vector<1600x16xf32>
    %slice3A_4 = vector.extract_strided_slice %transpose3A {offsets = [4800, 0], sizes = [1600, 16], strides = [1, 1]} : vector<12800x16xf32> to vector<1600x16xf32>
    %slice3A_5 = vector.extract_strided_slice %transpose3A {offsets = [6400, 0], sizes = [1600, 16], strides = [1, 1]} : vector<12800x16xf32> to vector<1600x16xf32>
    %slice3A_6 = vector.extract_strided_slice %transpose3A {offsets = [8000, 0], sizes = [1600, 16], strides = [1, 1]} : vector<12800x16xf32> to vector<1600x16xf32>
    %slice3A_7 = vector.extract_strided_slice %transpose3A {offsets = [9600, 0], sizes = [1600, 16], strides = [1, 1]} : vector<12800x16xf32> to vector<1600x16xf32>
    %slice3A_8 = vector.extract_strided_slice %transpose3A {offsets = [11200, 0], sizes = [1600, 16], strides = [1, 1]} : vector<12800x16xf32> to vector<1600x16xf32>
    %concatenate3A = tpu.concatenate %slice3A, %slice3A_2, %slice3A_3, %slice3A_4, %slice3A_5, %slice3A_6, %slice3A_7, %slice3A_8 in 1 : vector<1600x16xf32>, vector<1600x16xf32>, vector<1600x16xf32>, vector<1600x16xf32>, vector<1600x16xf32>, vector<1600x16xf32>, vector<1600x16xf32>, vector<1600x16xf32> -> vector<1600x128xf32>
    %swap3A = arith.constant 0 : index
    %swap3A_9 = arith.constant 0 : index
    %swap3A_10 = vector.load %arg2[%swap3A, %swap3A_9] : memref<1600x128xf32, #tpu.memory_space<vmem>>, vector<1600x128xf32>
    tpu.vector_store %arg2[%swap3A, %swap3A_9], %concatenate3A {strides = array<i32>} : memref<1600x128xf32, #tpu.memory_space<vmem>>, vector<1600x128xf32>,
    return
  }
  func.func @transform_0(%arg0: i32) -> (i32, i32) {
    %add3A = arith.constant 0 : i32
    %add3A_0 = arith.addi %arg0, %add3A : i32
    %c0_i32 = arith.constant 0 : i32
    %c0_i32_1 = arith.constant 0 : i32
    return %c0_i32, %add3A_0 : i32, i32
  }
  func.func @transform_1(%arg0: i32) -> (i32, i32) {
    %c0_i32 = arith.constant 0 : i32
    %c0_i32_0 = arith.constant 0 : i32
    return %arg0, %c0_i32 : i32, i32
  }
}

module attributes {stable_mosaic.version = 14 : i64} {
  func.func @body(%arg0: i32, %arg1: memref<1000x128xf32, #tpu.memory_space<vmem>>, %arg2: memref<2x1000x16xf32, #tpu.memory_space<vmem>>, %arg3: memref<2x1000x16xf32, #tpu.memory_space<vmem>>, %arg4: memref<128x256xf32, #tpu.memory_space<vmem>>, %arg5: memref<16x256xf32, #tpu.memory_space<vmem>>, %arg6: memref<1x256xf32, #tpu.memory_space<vmem>>, %arg7: memref<1x256xf32, #tpu.memory_space<vmem>>, %arg8: memref<1x256xf32, #tpu.memory_space<vmem>>) attributes {dimension_semantics = [#tpu.dimension_semantics<arbitrary>], iteration_bounds = array<i64: 50>, scalar_prefetch = 0 : i64, scratch_operands = 0 : i64, tpu.core_type = #tpu.core_type<tc>, window_params = [{transform_indices = @transform_0, window_bounds = array<i64: 1000, 128>}, {transform_indices = @transform_1, window_bounds = array<i64: 2, 1000, 16>}, {transform_indices = @transform_2, window_bounds = array<i64: 2, 1000, 16>}, {pipeline_mode = #tpu.pipeline_mode<synchronous>, transform_indices = @transform_3, window_bounds = array<i64: 128, 256>}, {pipeline_mode = #tpu.pipeline_mode<synchronous>, transform_indices = @transform_4, window_bounds = array<i64: 16, 256>}, {pipeline_mode = #tpu.pipeline_mode<synchronous>, transform_indices = @transform_5, window_bounds = array<i64: 1, 256>}, {pipeline_mode = #tpu.pipeline_mode<synchronous>, transform_indices = @transform_6, window_bounds = array<i64: 1, 256>}, {pipeline_mode = #tpu.pipeline_mode<synchronous>, transform_indices = @transform_7, window_bounds = array<i64: 1, 256>}]} {
    %get3A = arith.constant 0 : index
    %get3A_0 = arith.constant 0 : index
    %get3A_1 = arith.constant 0 : index
    %get3A_2 = vector.load %arg2[%get3A, %get3A_0, %get3A_1] : memref<2x1000x16xf32, #tpu.memory_space<vmem>>, vector<1x1000x16xf32>
    %get3A_3 = vector.shape_cast %get3A_2 : vector<1x1000x16xf32> to vector<1000x16xf32>
    %get3A_4 = arith.constant 1 : index
    %get3A_5 = arith.constant 0 : index
    %get3A_6 = arith.constant 0 : index
    %get3A_7 = vector.load %arg2[%get3A_4, %get3A_5, %get3A_6] : memref<2x1000x16xf32, #tpu.memory_space<vmem>>, vector<1x1000x16xf32>
    %get3A_8 = vector.shape_cast %get3A_7 : vector<1x1000x16xf32> to vector<1000x16xf32>
    %add3A = arith.addf %get3A_3, %get3A_8 : vector<1000x16xf32>
    %get3A_9 = arith.constant 0 : index
    %get3A_10 = arith.constant 0 : index
    %get3A_11 = arith.constant 0 : index
    %get3A_12 = vector.load %arg3[%get3A_9, %get3A_10, %get3A_11] : memref<2x1000x16xf32, #tpu.memory_space<vmem>>, vector<1x1000x16xf32>
    %get3A_13 = vector.shape_cast %get3A_12 : vector<1x1000x16xf32> to vector<1000x16xf32>
    %get3A_14 = arith.constant 1 : index
    %get3A_15 = arith.constant 0 : index
    %get3A_16 = arith.constant 0 : index
    %get3A_17 = vector.load %arg3[%get3A_14, %get3A_15, %get3A_16] : memref<2x1000x16xf32, #tpu.memory_space<vmem>>, vector<1x1000x16xf32>
    %get3A_18 = vector.shape_cast %get3A_17 : vector<1x1000x16xf32> to vector<1000x16xf32>
    %add3A_19 = arith.addf %get3A_13, %get3A_18 : vector<1000x16xf32>
    %add3A_20 = arith.addf %add3A, %add3A_19 : vector<1000x16xf32>
    %get3A_21 = arith.constant 0 : index
    %get3A_22 = arith.constant 0 : index
    %get3A_23 = vector.load %arg1[%get3A_21, %get3A_22] : memref<1000x128xf32, #tpu.memory_space<vmem>>, vector<1000x128xf32>
    %get3A_24 = arith.constant 0 : index
    %get3A_25 = arith.constant 0 : index
    %get3A_26 = vector.load %arg4[%get3A_24, %get3A_25] : memref<128x256xf32, #tpu.memory_space<vmem>>, vector<128x256xf32>
    %dot_general3A = arith.constant dense<0.000000e+00> : vector<1000x256xf32>
    %dot_general3A_27 = tpu.matmul %get3A_23, %get3A_26, %dot_general3A {dimension_numbers = #tpu.dot_dimension_numbers<[1], [0], [0], [1], [0, 0, 1, 1], [], []>, transpose_lhs_hint = false} : vector<1000x128xf32>, vector<128x256xf32>, vector<1000x256xf32> -> vector<1000x256xf32>
    %get3A_28 = arith.constant 0 : index
    %get3A_29 = arith.constant 0 : index
    %get3A_30 = vector.load %arg5[%get3A_28, %get3A_29] : memref<16x256xf32, #tpu.memory_space<vmem>>, vector<16x256xf32>
    %dot_general3A_31 = arith.constant dense<0.000000e+00> : vector<1000x256xf32>
    %dot_general3A_32 = tpu.matmul %add3A_20, %get3A_30, %dot_general3A_31 {dimension_numbers = #tpu.dot_dimension_numbers<[1], [0], [0], [1], [0, 0, 1, 1], [], []>, transpose_lhs_hint = false} : vector<1000x16xf32>, vector<16x256xf32>, vector<1000x256xf32> -> vector<1000x256xf32>
    %add3A_33 = arith.addf %dot_general3A_27, %dot_general3A_32 : vector<1000x256xf32>
    %get3A_34 = arith.constant 0 : index
    %get3A_35 = arith.constant 0 : index
    %get3A_36 = vector.load %arg6[%get3A_34, %get3A_35] : memref<1x256xf32, #tpu.memory_space<vmem>>, vector<1x256xf32>
    %add3A_37 = vector.broadcast %get3A_36 : vector<1x256xf32> to vector<1000x256xf32>
    %add3A_38 = arith.addf %add3A_33, %add3A_37 : vector<1000x256xf32>
    %max3A = arith.constant 0.000000e+00 : f32
    %max3A_39 = vector.broadcast %max3A : f32 to vector<1000x256xf32>
    %max3A_40 = arith.maximumf %add3A_38, %max3A_39 : vector<1000x256xf32>
    %eq3A = arith.constant 0 : i32
    %eq3A_41 = arith.cmpi eq, %arg0, %eq3A : i32
    %convert_element_type3A = arith.extui %eq3A_41 : i1 to i32
    %cond3A = arith.constant 0 : i32
    %cond3A_42 = arith.cmpi ne, %convert_element_type3A, %cond3A : i32
    scf.if %cond3A_42 {
      %broadcast_in_dim3A_60 = arith.constant 0.000000e+00 : f32
      %broadcast_in_dim3A_61 = vector.broadcast %broadcast_in_dim3A_60 : f32 to vector<1x256xf32>
      %swap3A_62 = arith.constant 0 : index
      %swap3A_63 = arith.constant 0 : index
      %swap3A_64 = vector.load %arg7[%swap3A_62, %swap3A_63] : memref<1x256xf32, #tpu.memory_space<vmem>>, vector<1x256xf32>
      tpu.vector_store %arg7[%swap3A_62, %swap3A_63], %broadcast_in_dim3A_61 {strides = array<i32>} : memref<1x256xf32, #tpu.memory_space<vmem>>, vector<1x256xf32>,
      %broadcast_in_dim3A_65 = arith.constant 0.000000e+00 : f32
      %broadcast_in_dim3A_66 = vector.broadcast %broadcast_in_dim3A_65 : f32 to vector<1x256xf32>
      %swap3A_67 = arith.constant 0 : index
      %swap3A_68 = arith.constant 0 : index
      %swap3A_69 = vector.load %arg8[%swap3A_67, %swap3A_68] : memref<1x256xf32, #tpu.memory_space<vmem>>, vector<1x256xf32>
      tpu.vector_store %arg8[%swap3A_67, %swap3A_68], %broadcast_in_dim3A_66 {strides = array<i32>} : memref<1x256xf32, #tpu.memory_space<vmem>>, vector<1x256xf32>,
    } else {
    }
    %get3A_43 = arith.constant 0 : index
    %get3A_44 = arith.constant 0 : index
    %get3A_45 = vector.load %arg7[%get3A_43, %get3A_44] : memref<1x256xf32, #tpu.memory_space<vmem>>, vector<1x256xf32>
    %reduce_sum3A = arith.constant dense<0.000000e+00> : vector<256xf32>
    %reduce_sum3A_46 = vector.multi_reduction <add>, %max3A_40, %reduce_sum3A [0] : vector<1000x256xf32> to vector<256xf32>
    %broadcast_in_dim3A = vector.shape_cast %reduce_sum3A_46 : vector<256xf32> to vector<1x256xf32>
    %add3A_47 = arith.addf %get3A_45, %broadcast_in_dim3A : vector<1x256xf32>
    %swap3A = arith.constant 0 : index
    %swap3A_48 = arith.constant 0 : index
    %swap3A_49 = vector.load %arg7[%swap3A, %swap3A_48] : memref<1x256xf32, #tpu.memory_space<vmem>>, vector<1x256xf32>
    tpu.vector_store %arg7[%swap3A, %swap3A_48], %add3A_47 {strides = array<i32>} : memref<1x256xf32, #tpu.memory_space<vmem>>, vector<1x256xf32>,
    %get3A_50 = arith.constant 0 : index
    %get3A_51 = arith.constant 0 : index
    %get3A_52 = vector.load %arg8[%get3A_50, %get3A_51] : memref<1x256xf32, #tpu.memory_space<vmem>>, vector<1x256xf32>
    %mul3A = arith.mulf %max3A_40, %max3A_40 : vector<1000x256xf32>
    %reduce_sum3A_53 = arith.constant dense<0.000000e+00> : vector<256xf32>
    %reduce_sum3A_54 = vector.multi_reduction <add>, %mul3A, %reduce_sum3A_53 [0] : vector<1000x256xf32> to vector<256xf32>
    %broadcast_in_dim3A_55 = vector.shape_cast %reduce_sum3A_54 : vector<256xf32> to vector<1x256xf32>
    %add3A_56 = arith.addf %get3A_52, %broadcast_in_dim3A_55 : vector<1x256xf32>
    %swap3A_57 = arith.constant 0 : index
    %swap3A_58 = arith.constant 0 : index
    %swap3A_59 = vector.load %arg8[%swap3A_57, %swap3A_58] : memref<1x256xf32, #tpu.memory_space<vmem>>, vector<1x256xf32>
    tpu.vector_store %arg8[%swap3A_57, %swap3A_58], %add3A_56 {strides = array<i32>} : memref<1x256xf32, #tpu.memory_space<vmem>>, vector<1x256xf32>,
    return
  }
  func.func @transform_0(%arg0: i32) -> (i32, i32) {
    %c0_i32 = arith.constant 0 : i32
    %c0_i32_0 = arith.constant 0 : i32
    return %arg0, %c0_i32 : i32, i32
  }
  func.func @transform_1(%arg0: i32) -> (i32, i32, i32) {
    %c0_i32 = arith.constant 0 : i32
    %c0_i32_0 = arith.constant 0 : i32
    %c0_i32_1 = arith.constant 0 : i32
    return %c0_i32, %arg0, %c0_i32_0 : i32, i32, i32
  }
  func.func @transform_2(%arg0: i32) -> (i32, i32, i32) {
    %c0_i32 = arith.constant 0 : i32
    %c0_i32_0 = arith.constant 0 : i32
    %c0_i32_1 = arith.constant 0 : i32
    return %c0_i32, %arg0, %c0_i32_0 : i32, i32, i32
  }
  func.func @transform_3(%arg0: i32) -> (i32, i32) {
    %c0_i32 = arith.constant 0 : i32
    %c0_i32_0 = arith.constant 0 : i32
    %c0_i32_1 = arith.constant 0 : i32
    return %c0_i32, %c0_i32_0 : i32, i32
  }
  func.func @transform_4(%arg0: i32) -> (i32, i32) {
    %c0_i32 = arith.constant 0 : i32
    %c0_i32_0 = arith.constant 0 : i32
    %c0_i32_1 = arith.constant 0 : i32
    return %c0_i32, %c0_i32_0 : i32, i32
  }
  func.func @transform_5(%arg0: i32) -> (i32, i32) {
    %c0_i32 = arith.constant 0 : i32
    %c0_i32_0 = arith.constant 0 : i32
    %c0_i32_1 = arith.constant 0 : i32
    return %c0_i32, %c0_i32_0 : i32, i32
  }
  func.func @transform_6(%arg0: i32) -> (i32, i32) {
    %c0_i32 = arith.constant 0 : i32
    %c0_i32_0 = arith.constant 0 : i32
    %c0_i32_1 = arith.constant 0 : i32
    return %c0_i32, %c0_i32_0 : i32, i32
  }
  func.func @transform_7(%arg0: i32) -> (i32, i32) {
    %c0_i32 = arith.constant 0 : i32
    %c0_i32_0 = arith.constant 0 : i32
    %c0_i32_1 = arith.constant 0 : i32
    return %c0_i32, %c0_i32_0 : i32, i32
  }
}

module attributes {stable_mosaic.version = 14 : i64} {
  func.func @body(%arg0: i32, %arg1: memref<1000x128xf32, #tpu.memory_space<vmem>>, %arg2: memref<2x1000x16xf32, #tpu.memory_space<vmem>>, %arg3: memref<2x1000x16xf32, #tpu.memory_space<vmem>>, %arg4: memref<128x256xf32, #tpu.memory_space<vmem>>, %arg5: memref<16x256xf32, #tpu.memory_space<vmem>>, %arg6: memref<1x256xf32, #tpu.memory_space<vmem>>, %arg7: memref<1x256xf32, #tpu.memory_space<vmem>>, %arg8: memref<1x256xf32, #tpu.memory_space<vmem>>, %arg9: memref<1x256xf32, #tpu.memory_space<vmem>>, %arg10: memref<1x256xf32, #tpu.memory_space<vmem>>, %arg11: memref<256x128xf32, #tpu.memory_space<vmem>>, %arg12: memref<1x128xf32, #tpu.memory_space<vmem>>, %arg13: memref<1000x128xf32, #tpu.memory_space<vmem>>) attributes {dimension_semantics = [#tpu.dimension_semantics<arbitrary>], iteration_bounds = array<i64: 50>, scalar_prefetch = 0 : i64, scratch_operands = 0 : i64, tpu.core_type = #tpu.core_type<tc>, window_params = [{transform_indices = @transform_0, window_bounds = array<i64: 1000, 128>}, {transform_indices = @transform_1, window_bounds = array<i64: 2, 1000, 16>}, {transform_indices = @transform_2, window_bounds = array<i64: 2, 1000, 16>}, {pipeline_mode = #tpu.pipeline_mode<synchronous>, transform_indices = @transform_3, window_bounds = array<i64: 128, 256>}, {pipeline_mode = #tpu.pipeline_mode<synchronous>, transform_indices = @transform_4, window_bounds = array<i64: 16, 256>}, {pipeline_mode = #tpu.pipeline_mode<synchronous>, transform_indices = @transform_5, window_bounds = array<i64: 1, 256>}, {pipeline_mode = #tpu.pipeline_mode<synchronous>, transform_indices = @transform_6, window_bounds = array<i64: 1, 256>}, {pipeline_mode = #tpu.pipeline_mode<synchronous>, transform_indices = @transform_7, window_bounds = array<i64: 1, 256>}, {pipeline_mode = #tpu.pipeline_mode<synchronous>, transform_indices = @transform_8, window_bounds = array<i64: 1, 256>}, {pipeline_mode = #tpu.pipeline_mode<synchronous>, transform_indices = @transform_9, window_bounds = array<i64: 1, 256>}, {pipeline_mode = #tpu.pipeline_mode<synchronous>, transform_indices = @transform_10, window_bounds = array<i64: 256, 128>}, {pipeline_mode = #tpu.pipeline_mode<synchronous>, transform_indices = @transform_11, window_bounds = array<i64: 1, 128>}, {transform_indices = @transform_12, window_bounds = array<i64: 1000, 128>}]} {
    %get3A = arith.constant 0 : index
    %get3A_0 = arith.constant 0 : index
    %get3A_1 = arith.constant 0 : index
    %get3A_2 = vector.load %arg2[%get3A, %get3A_0, %get3A_1] : memref<2x1000x16xf32, #tpu.memory_space<vmem>>, vector<1x1000x16xf32>
    %get3A_3 = vector.shape_cast %get3A_2 : vector<1x1000x16xf32> to vector<1000x16xf32>
    %get3A_4 = arith.constant 1 : index
    %get3A_5 = arith.constant 0 : index
    %get3A_6 = arith.constant 0 : index
    %get3A_7 = vector.load %arg2[%get3A_4, %get3A_5, %get3A_6] : memref<2x1000x16xf32, #tpu.memory_space<vmem>>, vector<1x1000x16xf32>
    %get3A_8 = vector.shape_cast %get3A_7 : vector<1x1000x16xf32> to vector<1000x16xf32>
    %add3A = arith.addf %get3A_3, %get3A_8 : vector<1000x16xf32>
    %get3A_9 = arith.constant 0 : index
    %get3A_10 = arith.constant 0 : index
    %get3A_11 = arith.constant 0 : index
    %get3A_12 = vector.load %arg3[%get3A_9, %get3A_10, %get3A_11] : memref<2x1000x16xf32, #tpu.memory_space<vmem>>, vector<1x1000x16xf32>
    %get3A_13 = vector.shape_cast %get3A_12 : vector<1x1000x16xf32> to vector<1000x16xf32>
    %get3A_14 = arith.constant 1 : index
    %get3A_15 = arith.constant 0 : index
    %get3A_16 = arith.constant 0 : index
    %get3A_17 = vector.load %arg3[%get3A_14, %get3A_15, %get3A_16] : memref<2x1000x16xf32, #tpu.memory_space<vmem>>, vector<1x1000x16xf32>
    %get3A_18 = vector.shape_cast %get3A_17 : vector<1x1000x16xf32> to vector<1000x16xf32>
    %add3A_19 = arith.addf %get3A_13, %get3A_18 : vector<1000x16xf32>
    %add3A_20 = arith.addf %add3A, %add3A_19 : vector<1000x16xf32>
    %get3A_21 = arith.constant 0 : index
    %get3A_22 = arith.constant 0 : index
    %get3A_23 = vector.load %arg1[%get3A_21, %get3A_22] : memref<1000x128xf32, #tpu.memory_space<vmem>>, vector<1000x128xf32>
    %get3A_24 = arith.constant 0 : index
    %get3A_25 = arith.constant 0 : index
    %get3A_26 = vector.load %arg4[%get3A_24, %get3A_25] : memref<128x256xf32, #tpu.memory_space<vmem>>, vector<128x256xf32>
    %dot_general3A = arith.constant dense<0.000000e+00> : vector<1000x256xf32>
    %dot_general3A_27 = tpu.matmul %get3A_23, %get3A_26, %dot_general3A {dimension_numbers = #tpu.dot_dimension_numbers<[1], [0], [0], [1], [0, 0, 1, 1], [], []>, transpose_lhs_hint = false} : vector<1000x128xf32>, vector<128x256xf32>, vector<1000x256xf32> -> vector<1000x256xf32>
    %get3A_28 = arith.constant 0 : index
    %get3A_29 = arith.constant 0 : index
    %get3A_30 = vector.load %arg5[%get3A_28, %get3A_29] : memref<16x256xf32, #tpu.memory_space<vmem>>, vector<16x256xf32>
    %dot_general3A_31 = arith.constant dense<0.000000e+00> : vector<1000x256xf32>
    %dot_general3A_32 = tpu.matmul %add3A_20, %get3A_30, %dot_general3A_31 {dimension_numbers = #tpu.dot_dimension_numbers<[1], [0], [0], [1], [0, 0, 1, 1], [], []>, transpose_lhs_hint = false} : vector<1000x16xf32>, vector<16x256xf32>, vector<1000x256xf32> -> vector<1000x256xf32>
    %add3A_33 = arith.addf %dot_general3A_27, %dot_general3A_32 : vector<1000x256xf32>
    %get3A_34 = arith.constant 0 : index
    %get3A_35 = arith.constant 0 : index
    %get3A_36 = vector.load %arg6[%get3A_34, %get3A_35] : memref<1x256xf32, #tpu.memory_space<vmem>>, vector<1x256xf32>
    %add3A_37 = vector.broadcast %get3A_36 : vector<1x256xf32> to vector<1000x256xf32>
    %add3A_38 = arith.addf %add3A_33, %add3A_37 : vector<1000x256xf32>
    %max3A = arith.constant 0.000000e+00 : f32
    %max3A_39 = vector.broadcast %max3A : f32 to vector<1000x256xf32>
    %max3A_40 = arith.maximumf %add3A_38, %max3A_39 : vector<1000x256xf32>
    %get3A_41 = arith.constant 0 : index
    %get3A_42 = arith.constant 0 : index
    %get3A_43 = vector.load %arg7[%get3A_41, %get3A_42] : memref<1x256xf32, #tpu.memory_space<vmem>>, vector<1x256xf32>
    %mul3A = arith.constant 2.000000e-05 : f32
    %mul3A_44 = vector.broadcast %mul3A : f32 to vector<1x256xf32>
    %mul3A_45 = arith.mulf %get3A_43, %mul3A_44 : vector<1x256xf32>
    %get3A_46 = arith.constant 0 : index
    %get3A_47 = arith.constant 0 : index
    %get3A_48 = vector.load %arg8[%get3A_46, %get3A_47] : memref<1x256xf32, #tpu.memory_space<vmem>>, vector<1x256xf32>
    %mul3A_49 = arith.constant 2.000000e-05 : f32
    %mul3A_50 = vector.broadcast %mul3A_49 : f32 to vector<1x256xf32>
    %mul3A_51 = arith.mulf %get3A_48, %mul3A_50 : vector<1x256xf32>
    %mul3A_52 = arith.mulf %mul3A_45, %mul3A_45 : vector<1x256xf32>
    %sub3A = arith.subf %mul3A_51, %mul3A_52 : vector<1x256xf32>
    %get3A_53 = arith.constant 0 : index
    %get3A_54 = arith.constant 0 : index
    %get3A_55 = vector.load %arg9[%get3A_53, %get3A_54] : memref<1x256xf32, #tpu.memory_space<vmem>>, vector<1x256xf32>
    %add3A_56 = arith.constant 9.99999974E-6 : f32
    %add3A_57 = vector.broadcast %add3A_56 : f32 to vector<1x256xf32>
    %add3A_58 = arith.addf %sub3A, %add3A_57 : vector<1x256xf32>
    %rsqrt3A = math.rsqrt %add3A_58 : vector<1x256xf32>
    %mul3A_59 = arith.mulf %get3A_55, %rsqrt3A : vector<1x256xf32>
    %get3A_60 = arith.constant 0 : index
    %get3A_61 = arith.constant 0 : index
    %get3A_62 = vector.load %arg10[%get3A_60, %get3A_61] : memref<1x256xf32, #tpu.memory_space<vmem>>, vector<1x256xf32>
    %mul3A_63 = arith.mulf %mul3A_45, %mul3A_59 : vector<1x256xf32>
    %sub3A_64 = arith.subf %get3A_62, %mul3A_63 : vector<1x256xf32>
    %mul3A_65 = vector.broadcast %mul3A_59 : vector<1x256xf32> to vector<1000x256xf32>
    %mul3A_66 = arith.mulf %max3A_40, %mul3A_65 : vector<1000x256xf32>
    %add3A_67 = vector.broadcast %sub3A_64 : vector<1x256xf32> to vector<1000x256xf32>
    %add3A_68 = arith.addf %mul3A_66, %add3A_67 : vector<1000x256xf32>
    %get3A_69 = arith.constant 0 : index
    %get3A_70 = arith.constant 0 : index
    %get3A_71 = vector.load %arg11[%get3A_69, %get3A_70] : memref<256x128xf32, #tpu.memory_space<vmem>>, vector<256x128xf32>
    %dot_general3A_72 = arith.constant dense<0.000000e+00> : vector<1000x128xf32>
    %dot_general3A_73 = tpu.matmul %add3A_68, %get3A_71, %dot_general3A_72 {dimension_numbers = #tpu.dot_dimension_numbers<[1], [0], [0], [1], [0, 0, 1, 1], [], []>, transpose_lhs_hint = false} : vector<1000x256xf32>, vector<256x128xf32>, vector<1000x128xf32> -> vector<1000x128xf32>
    %get3A_74 = arith.constant 0 : index
    %get3A_75 = arith.constant 0 : index
    %get3A_76 = vector.load %arg12[%get3A_74, %get3A_75] : memref<1x128xf32, #tpu.memory_space<vmem>>, vector<1x128xf32>
    %add3A_77 = vector.broadcast %get3A_76 : vector<1x128xf32> to vector<1000x128xf32>
    %add3A_78 = arith.addf %dot_general3A_73, %add3A_77 : vector<1000x128xf32>
    %swap3A = arith.constant 0 : index
    %swap3A_79 = arith.constant 0 : index
    %swap3A_80 = vector.load %arg13[%swap3A, %swap3A_79] : memref<1000x128xf32, #tpu.memory_space<vmem>>, vector<1000x128xf32>
    tpu.vector_store %arg13[%swap3A, %swap3A_79], %add3A_78 {strides = array<i32>} : memref<1000x128xf32, #tpu.memory_space<vmem>>, vector<1000x128xf32>,
    return
  }
  func.func @transform_0(%arg0: i32) -> (i32, i32) {
    %c0_i32 = arith.constant 0 : i32
    %c0_i32_0 = arith.constant 0 : i32
    return %arg0, %c0_i32 : i32, i32
  }
  func.func @transform_1(%arg0: i32) -> (i32, i32, i32) {
    %c0_i32 = arith.constant 0 : i32
    %c0_i32_0 = arith.constant 0 : i32
    %c0_i32_1 = arith.constant 0 : i32
    return %c0_i32, %arg0, %c0_i32_0 : i32, i32, i32
  }
  func.func @transform_2(%arg0: i32) -> (i32, i32, i32) {
    %c0_i32 = arith.constant 0 : i32
    %c0_i32_0 = arith.constant 0 : i32
    %c0_i32_1 = arith.constant 0 : i32
    return %c0_i32, %arg0, %c0_i32_0 : i32, i32, i32
  }
  func.func @transform_3(%arg0: i32) -> (i32, i32) {
    %c0_i32 = arith.constant 0 : i32
    %c0_i32_0 = arith.constant 0 : i32
    %c0_i32_1 = arith.constant 0 : i32
    return %c0_i32, %c0_i32_0 : i32, i32
  }
  func.func @transform_4(%arg0: i32) -> (i32, i32) {
    %c0_i32 = arith.constant 0 : i32
    %c0_i32_0 = arith.constant 0 : i32
    %c0_i32_1 = arith.constant 0 : i32
    return %c0_i32, %c0_i32_0 : i32, i32
  }
  func.func @transform_5(%arg0: i32) -> (i32, i32) {
    %c0_i32 = arith.constant 0 : i32
    %c0_i32_0 = arith.constant 0 : i32
    %c0_i32_1 = arith.constant 0 : i32
    return %c0_i32, %c0_i32_0 : i32, i32
  }
  func.func @transform_6(%arg0: i32) -> (i32, i32) {
    %c0_i32 = arith.constant 0 : i32
    %c0_i32_0 = arith.constant 0 : i32
    %c0_i32_1 = arith.constant 0 : i32
    return %c0_i32, %c0_i32_0 : i32, i32
  }
  func.func @transform_7(%arg0: i32) -> (i32, i32) {
    %c0_i32 = arith.constant 0 : i32
    %c0_i32_0 = arith.constant 0 : i32
    %c0_i32_1 = arith.constant 0 : i32
    return %c0_i32, %c0_i32_0 : i32, i32
  }
  func.func @transform_8(%arg0: i32) -> (i32, i32) {
    %c0_i32 = arith.constant 0 : i32
    %c0_i32_0 = arith.constant 0 : i32
    %c0_i32_1 = arith.constant 0 : i32
    return %c0_i32, %c0_i32_0 : i32, i32
  }
  func.func @transform_9(%arg0: i32) -> (i32, i32) {
    %c0_i32 = arith.constant 0 : i32
    %c0_i32_0 = arith.constant 0 : i32
    %c0_i32_1 = arith.constant 0 : i32
    return %c0_i32, %c0_i32_0 : i32, i32
  }
  func.func @transform_10(%arg0: i32) -> (i32, i32) {
    %c0_i32 = arith.constant 0 : i32
    %c0_i32_0 = arith.constant 0 : i32
    %c0_i32_1 = arith.constant 0 : i32
    return %c0_i32, %c0_i32_0 : i32, i32
  }
  func.func @transform_11(%arg0: i32) -> (i32, i32) {
    %c0_i32 = arith.constant 0 : i32
    %c0_i32_0 = arith.constant 0 : i32
    %c0_i32_1 = arith.constant 0 : i32
    return %c0_i32, %c0_i32_0 : i32, i32
  }
  func.func @transform_12(%arg0: i32) -> (i32, i32) {
    %c0_i32 = arith.constant 0 : i32
    %c0_i32_0 = arith.constant 0 : i32
    return %arg0, %c0_i32 : i32, i32
  }
}

</mosaic_0001>

<sc_bundles>
// kernel: kernel.11.cloned.1.call-start
scs
__scs_entry_jumppad:
0x0: {  	(pc) =	sbr.rel $0x88, $3  }
0x1: {  	(tag) =	ssettag $0x0;
	lr =	simm.s32 $0x1  }
0x2: {  	[smem:$0x3F98] =	sst lr;
	_ =	strace $0xD0000000  }
0x3: {  	_ = 	snop  }
0x4: {  	_ = 	snop  }
0x5: {  	_ = 	snop  }
0x6: {  	_ = 	snop  }
0x7: {  	_ = 	snop  }
__scs_overlays_trampoline_lowered:
0x8: {  	[smem:$0x3FA7] =	sst s0  }
0x9: {  	[smem:$0x3FA8] =	sst s1  }
0xa: {  	[smem:$0x3FA9] =	sst s2  }
0xb: {  	[smem:$0x3FAA] =	sst s3  }
0xc: {  	[smem:$0x3FAB] =	sst s4  }
0xd: {  	[smem:$0x3FAC] =	sst s5  }
0xe: {  	[smem:$0x3FAD] =	sst s6  }
0xf: {  	[smem:$0x3FAE] =	sst s7  }
0x10: {  	[smem:$0x3FAF] =	sst s8  }
0x11: {  	[smem:$0x3FB0] =	sst s9;
	s0 =	simm.s32 @!p0 $0x0  }
0x12: {  	s1 =	sld [smem:$0x3F96];
	s0 =	simm.s32 @p0 $0x1  }
0x13: {  	[smem:$0x3FB1] =	sst s0;
	s0 =	simm.s32 @!p1 $0x0  }
0x14: {  	s2 =	sld [smem:$0x3F95];
	s0 =	simm.s32 @p1 $0x1  }
0x15: {  	[smem:$0x3FB2] =	sst s0;
	s0 =	simm.s32 @!p2 $0x0  }
0x16: {  	s3 =	sld [smem:$0x3FDB];
	s0 =	simm.s32 @p2 $0x1  }
0x17: {  	s4 =	simm.s32 $0x1BF5;
	[smem:$0x3FB4] =	sst s0  }
0x18: {  	s0 =	sld [smem:$0x3F97];
	_ =	swait.ge [sflag:s4], $0x0  }
0x19: {  	s7 =	sld [smem:$0x3F98]  }
0x1a: {  	s8 =	sadd.s32 $0xFFFFE003, lr  }
0x1b: {  	s9 =	sadd.s32 $0xFFFFFEF7, lr;
	s5 =	simm.s32 $0xFFFFFFFF;
	p2 =	slt.u32 s8, $0xFFFFF086  }
0x1c: {  	p1 =	slt.u32 s9, $0xF7A;
	s5 =	simm.s32 @!p2 $0x0  }
0x1d: {  	s5 =	simm.s32 @p1 $0x1;
	p0 =	seq.s32 s7, s2  }
0x1e: {  	s7 =	smul.u32 @!p0 $0xF7A, s2;
	p2 =	seq.s32 @!p0 s5, $0x0  }
0x1f: {  	s9 =	smul.u32 $0xF7A, s1;
	s8 =	simm.s32 @!p0 $0x1BF5;
	p2 =	por !p2, p0  }
0x20: {  	[sflag:s8] =	ssyncset.s32 @!p0 $0xFFFFF086;
	s6 =	sadd.s32 @!p0 s3, s7;
	s7 =	simm.s32 @!p0 $0x108  }
0x21: {  	s3 =	sadd.s32 s3, s9;
	s6 =	sadd.s32 @!p0 $0x88, s6;
	s7 =	simm.s32 @p2 $0x1082  }
0x22: {  	[simem:s7], [sflag:s8] =	dma.local @!p0 [hbm:s6], $0xF7A  }
0x23: {  	s9 =	sor.u32 $0xD0000000, s2;
	s6 =	simm.s32 $0x108;
	_ =	swait.ge @!p0 [sflag:s8], $0x0  }
0x24: {  	s3 =	sadd.s32 $0x88, s3;
	s6 =	simm.s32 @!p1 $0x1082;
	[sflag:s4] =	ssyncset.s32 $0xFFFFF086  }
0x25: {  	[simem:s6], [sflag:s4] =	dma.local [hbm:s3], $0xF7A  }
0x26: {  	[smem:$0x3F98] =	sst s1;
	(tag) =	ssettag s2;
	_ =	strace s9  }
0x27: {  	s1 =	sld [smem:$0x3FA8]  }
0x28: {  	s2 =	sld [smem:$0x3FA9]  }
0x29: {  	s4 =	sld [smem:$0x3FAB]  }
0x2a: {  	p0 =	seq.s32 s5, $0x0;
	s5 =	sld [smem:$0x3FAC]  }
0x2b: {  	s6 =	sld [smem:$0x3FAD]  }
0x2c: {  	s7 =	sld [smem:$0x3FAE]  }
0x2d: {  	s3 =	simm.s32 $0x108;
	s8 =	sld [smem:$0x3FAF]  }
0x2e: {  	s3 =	simm.s32 @!p0 $0x1082;
	s9 =	sld [smem:$0x3FB0]  }
0x2f: {  	lr =	sadd.s32 s0, s3;
	s0 =	sld [smem:$0x3FA7]  }
0x30: {  	s3 =	sld [smem:$0x3FAA]  }
0x31: {  	[smem:$0x3FB3] =	sst s10  }
0x32: {  	s10 =	sld [smem:$0x3FB1];
	_ =	sdelay $0x3  }
0x33: {  	p0 =	seq.s32 s10, $0x1;
	s10 =	sld [smem:$0x3FB3];
	_ =	sdelay $0x3  }
0x34: {  	[smem:$0x3FB3] =	sst s10  }
0x35: {  	s10 =	sld [smem:$0x3FB2];
	_ =	sdelay $0x3  }
0x36: {  	p1 =	seq.s32 s10, $0x1;
	s10 =	sld [smem:$0x3FB3];
	_ =	sdelay $0x3  }
0x37: {  	[smem:$0x3FB3] =	sst s10  }
0x38: {  	s10 =	sld [smem:$0x3FB4]  }
0x39: {  	_ = 	snop;
	(pc) =	sbr.ind lr, $3  }
0x3a: {  	_ = 	snop  }
0x3b: {  	_ = 	snop  }
0x3c: {  	p2 =	seq.s32 s10, $0x1;
	s10 =	sld [smem:$0x3FB3]  }
0x3d: {  	_ =	shalt  }
0x3e: {  	_ =	shalt  }
0x3f: {  	_ =	shalt  }
0x40: {  	_ =	shalt  }
0x41: {  	_ =	shalt  }
0x42: {  	_ =	shalt  }
0x43: {  	_ =	shalt  }
0x44: {  	_ =	shalt  }
0x45: {  	_ =	shalt  }
0x46: {  	_ =	shalt  }
0x47: {  	_ =	shalt  }
0x48: {  	_ =	shalt  }
0x49: {  	_ =	shalt  }
0x4a: {  	_ =	shalt  }
0x4b: {  	_ =	shalt  }
0x4c: {  	_ =	shalt  }
0x4d: {  	_ =	shalt  }
0x4e: {  	_ =	shalt  }
0x4f: {  	_ =	shalt  }
0x50: {  	_ =	shalt  }
0x51: {  	_ =	shalt  }
0x52: {  	_ =	shalt  }
0x53: {  	_ =	shalt  }
0x54: {  	_ =	shalt  }
0x55: {  	_ =	shalt  }
0x56: {  	_ =	shalt  }
0x57: {  	_ =	shalt  }
0x58: {  	_ =	shalt  }
0x59: {  	_ =	shalt  }
0x5a: {  	_ =	shalt  }
0x5b: {  	_ =	shalt  }
0x5c: {  	_ =	shalt  }
0x5d: {  	_ =	shalt  }
0x5e: {  	_ =	shalt  }
0x5f: {  	_ =	shalt  }
0x60: {  	_ =	shalt  }
0x61: {  	_ =	shalt  }
0x62: {  	_ =	shalt  }
0x63: {  	_ =	shalt  }
0x64: {  	_ =	shalt  }
0x65: {  	_ =	shalt  }
0x66: {  	_ =	shalt  }
0x67: {  	_ =	shalt  }
0x68: {  	_ =	shalt  }
0x69: {  	_ =	shalt  }
0x6a: {  	_ =	shalt  }
0x6b: {  	_ =	shalt  }
0x6c: {  	_ =	shalt  }
0x6d: {  	_ =	shalt  }
0x6e: {  	_ =	shalt  }
0x6f: {  	_ =	shalt  }
0x70: {  	_ =	shalt  }
0x71: {  	_ =	shalt  }
0x72: {  	_ =	shalt  }
0x73: {  	_ =	shalt  }
0x74: {  	_ =	shalt  }
0x75: {  	_ =	shalt  }
0x76: {  	_ =	shalt  }
0x77: {  	_ =	shalt  }
0x78: {  	_ =	shalt  }
0x79: {  	_ =	shalt  }
0x7a: {  	_ =	shalt  }
0x7b: {  	_ =	shalt  }
0x7c: {  	_ =	shalt  }
0x7d: {  	_ =	shalt  }
0x7e: {  	_ =	shalt  }
0x7f: {  	_ =	shalt  }
0x80: {  	_ =	shalt  }
0x81: {  	_ =	shalt  }
0x82: {  	_ =	shalt  }
0x83: {  	_ =	shalt  }
0x84: {  	_ =	shalt  }
0x85: {  	_ =	shalt  }
0x86: {  	_ =	shalt  }
0x87: {  	_ =	shalt  }
.Lfunc_end0:
.L_simem_size_0:
called_computation.1_lowered:
.L_overlay_start_0:
0x88: {  	s2 =	sld [smem:$0x3FD9]  }
0x89: {  	s3 =	sld [smem:$0x3FFE];
	_ =	sdelay $0x1  }
0x8a: {  	s1 =	srdreg.scid  }
0x8b: {  	s0 =	sand.u32 $0x1, s1  }
0x8c: {  	s16 =	sshll.u32 s0, $0xA;
	s2 =	sadd.s32 s3, s2  }
0x8d: {  	s2 =	sadd.s32 s2, s16  }
0x8e: {  	[smem:$0x3FBF] =	sst s2  }
0x8f: {  	_ = 	snop  }
0x90: {  	(tm) =	ssettm $0x1  }
0x91: {  	s17 =	sld [smem:$0x3FFB];
	_ =	sdelay $0x3  }
0x92: {  	_ =	strace s17  }
0x93: {  	s2 =	sld [smem:$0x3FFC];
	_ =	sdelay $0x3  }
0x94: {  	_ =	strace s2  }
0x95: {  	s2 =	sld [smem:$0x3FFD];
	_ =	sdelay $0x3  }
0x96: {  	_ =	strace s2  }
0x97: {  	_ =	strace $0x8FFFFFFF  }
0x98: {  	s18 =	sld [smem:$0x3FDB];
	_ =	sdelay $0x1  }
0x99: {  	s19 =	simm.s32 $_scs_section_size  }
0x9a: {  	s4 =	simm.s32 $_size__tile_overlayer_lowered;
	s5 =	simm.s32 $_tile_overlayer_lowered  }
0x9b: {  	s22 =	simm.s32 $0x1BFF;
	s21 =	sshll.u32 s5, $0x1;
	s2 =	sadd.s32 s19, s18  }
0x9c: {  	s6 =	simm.s32 $0x0;
	s20 =	sshll.u32 s4, $0x1;
	s4 =	sadd.s32 s21, s2  }
0x9d: {  	[timem:s6], [sflag:s22] =	dma.local [hbm:s4], s20  }
0x9e: {  	_ =	swait.ge [sflag:s22], s20  }
0x9f: {  	s3 =	ssub.s32 $0x0, s20;
	[sflag:s22] =	ssyncset.done $0x0  }
0xa0: {  	[sflag:s22] =	ssyncadd.s32 s3;
	_ =	sdelay $0x1  }
0xa1: {  	s23 =	simm.s32 $0x1B8B  }
0xa2: {  	_ =	swait.ge [sflag:s23], $0x1  }
0xa3: {  	[sflag:s23] =	ssyncset.done $0x0  }
0xa4: {  	s25 =	simm.s32 $0x1B8E;
	s24 =	sld [smem:$0x3FFE];
	[sflag:s23] =	ssyncadd.s32 $0xFFFFFFFF  }
0xa5: {  	s26 =	simm.s32 $execute0_lowered;
	[smem:$0x3FD2] =	sst s25  }
0xa6: {  	s4 =	sshll.u32 s26, $0x1;
	_ =	strace $0x80000046;
	[dreg:$0x1] =	wrdreg $0xFFFFFFFF  }
0xa7: {  	s28 =	simm.s32 $_size_execute0_lowered;
	s2 =	sadd.s32 s2, s4;
	[dreg:$0x0] =	wrdreg $0x0  }
0xa8: {  	s4 =	sshll.u32 s28, $0x1;
	[dreg:$0x2] =	wrdreg s2  }
0xa9: {  	[dreg:$0x3] =	wrdreg s4  }
0xaa: {  	[dreg:$0x4] =	wrdreg $0xC0  }
0xab: {  	_ =	task [dreg:s6], $0x5FFFF  }
0xac: {  	[dreg:$0x1] =	wrdreg $0xFFFFFFFF  }
0xad: {  	[dreg:$0x0] =	wrdreg $0x60  }
0xae: {  	[dreg:$0x2] =	wrdreg s24  }
0xaf: {  	[dreg:$0x3] =	wrdreg $0x2A800  }
0xb0: {  	[dreg:$0x4] =	wrdreg $0xA  }
0xb1: {  	_ =	task.clear_ibuf [dreg:s6], $0x5FFFF;
	_ =	strace $0x90000046  }
0xb2: {  	s29 =	simm.s32 $0xA;
	_ =	strace $0x80000048  }
0xb3: {  	_ =	swait.ge [sflag:s29], $0x1  }
0xb4: {  	[sflag:s29] =	ssyncadd.s32 $0xFFFFFFFF  }
0xb5: {  	_ =	strace $0x90000048  }
0xb6: {  	_ =	sfence  }
0xb7: {  	s30 =	sld [smem:$0x0];
	_ =	sdelay $0x2  }
0xb8: {  	s31 =	sshll.u32 s1, $0xD;
	s1 =	sshrl.u32 s1, $0x2  }
0xb9: {  	s3 =	sand.u32 $0x4000, s31;
	s1 =	sadd.s32 s1, s30  }
0xba: {  	s0 =	sor.u32 s3, s0;
	s1 =	sshll.u32 s1, $0x11  }
0xbb: {  	s0 =	sor.u32 s1, s0  }
0xbc: {  	s0 =	sadd.s32 $0x8F2B, s0  }
0xbd: {  	[sflag:s0] =	ssyncadd.remote.s32 $0x1  }
0xbe: {  	_ =	sfence.sel $0xFFFF  }
0xbf: {  	[dreg:$0x0] =	wrdreg $0xFFFFFFFF;
	(pc) =	sbr.abs _section_cstart, $3  }
0xc0: {  	[dreg:$0x1] =	wrdreg $0xFFFFFFFF  }
0xc1: {  	_ =	task.clear_ibuf [dreg:s6], $0x2FFFF;
	_ =	strace $0x9FFFFFFF  }
0xc2: {  	(tm) =	ssettm $0x7FFFFFFF  }
0xc3: {  	_ =	shalt  }
tec
execute0_lowered:
.L_overlay_start_1:
0x0: {  	(tag) =	ssettag $0x1  }
0x1: {  	s0 =	rddreg [dreg:$0x0]  }
0x2: {  	s2 =	rddreg [dreg:$0x1]  }
0x3: {  	s3 =	simm.s32 $0x0;
	s26 =	stileid.u32;
	s1 =	srdreg.scid  }
0x4: {  	s17 =	simm.s32 $0xA0;
	s18 =	simm.s32 $0xC80;
	s19 =	simm.s32 $0xF0  }
0x5: {  	s28 =	simm.s32 $0x230;
	s29 =	simm.s32 $0x2580;
	s30 =	simm.s32 $0x0  }
0x6: {  	[smem:$0x7FF] =	sst s3;
	s4 =	smul.u32 $0xC380, s26;
	s1 =	sand.u32 $0x1, s1  }
0x7: {  	s10 =	sadd.s32 $0x1200, s0;
	s6 =	sshll.u32 s26, $0x1;
	s14 =	smul.u32 $0xA00, s26  }
0x8: {  	s11 =	sadd.s32 $0x19C00, s0;
	s22 =	sshll.u32 s26, $0x6;
	s16 =	smul.u32 $0xA0, s26  }
0x9: {  	p0 =	sgt.u32 s26, $0x5;
	s26 =	simm.s32 $0x2080;
	s5 =	smul.u32 $0xC3800, s1  }
0xa: {  	_ =	strace $0x80000047;
	s6 =	sor.u32 s1, s6;
	s15 =	smul.u32 $0x500, s1  }
0xb: {  	s8 =	ssub.s32 $0x2, s1;
	s24 =	smul.u32 $0x50, s1;
	s7 =	sshrl.u32 s4, $0x3  }
0xc: {  	s6 =	sor.u32 $0x4E0, s6;
	s20 =	sshrl.u32 s8, $0x1;
	s25 =	sadd.s32 s14, s11  }
0xd: {  	s31 =	sadd.s32 s16, s10;
	s14 =	simm.s32 $0x280;
	s16 =	simm.s32 $0x780  }
0xe: {  	s7 =	sadd.s32 s7, s0;
	s5 =	sadd.s32 s4, s5;
	s9 =	smul.u32 $0x50, s6  }
0xf: {  	s12 =	smul.u32 $0x500, s6;
	s13 =	ssub.s32 s8, s20;
	s4 =	sadd.s32 s4, s2  }
0x10: {  	s20 =	simm.s32 $0x1180;
	s5 =	sshrl.u32 s5, $0x3;
	s21 =	sadd.s32 $0x1A3800, s7  }
0x11: {  	s0 =	sadd.s32 s5, s0;
	[dreg:$0x3] =	wrdreg s21;
	s5 =	sor.u32 $0x1C01, s22  }
0x12: {  	s23 =	sadd.s32 s10, s9;
	s7 =	sadd.s32 s11, s12;
	s9 =	smax.u32 s13, $0x1  }
0x13: {  	s10 =	sadd.s32 s15, s25;
	s11 =	sadd.s32 s24, s31;
	s12 =	sshrl.u32 s4, $0x3  }
0x14: {  	s13 =	simm.s32 $0x1;
	s15 =	simm.s32 $0x50;
	s21 =	simm.s32 $0x140  }
0x15: {  	s22 =	simm.s32 $0x1680;
	s24 =	simm.s32 $0x1B80;
	s25 =	simm.s32 $0x1E0  }
0x16: {  	[dreg:$0x4] =	wrdreg s23;
	s8 =	sadd.s32 $0x1BC000, s0;
	s23 =	simm.s32 $0x190  }
.LBB2_1:
0x17: {  	s0 =	rddreg [dreg:$0x3]  }
0x18: {  	[spmem:s12], [sflag:s5] =	dma.local [hbm:s0], $0x1870  }
0x19: {  	_ =	swait.ge [sflag:s13], $0x1870  }
0x1a: {  	[sflag:s13] =	ssyncset.done $0x0  }
0x1b: {  	[sflag:s13] =	ssyncadd.s32 $0xFFFFE790  }
0x1c: {  	s6 =	sadd.s32 $0x0, s11;
	[bflag:$0x0] =	sbarrier.arrive $0xFFFF  }
0x1d: {  	[tilespmem:s3], [sflag:$0x1] =	stream.linear.gather [hbm4b:s6+s3], $0x280, $0x38;
	[tilespmem:$0xEE00] =	vst v63  }
0x1e: {  	_ =	swait.ge [sflag:s13], $0x280  }
0x1f: {  	[sflag:s13] =	ssyncset.done $0x0  }
0x20: {  	[sflag:s13] =	ssyncadd.s32 $0xFFFFFD80  }
0x21: {  	[tilespmem:s14], [sflag:$0x1] =	stream.linear.gather [hbm4b:s10+s3], $0x2800, $0x38;
	[tilespmem:$0xEE00] =	vst v63  }
0x22: {  	_ =	swait.ge [sflag:s13], $0x2800  }
0x23: {  	[sflag:s13] =	ssyncset.done $0x0  }
0x24: {  	[sflag:s13] =	ssyncadd.s32 $0xFFFFD800  }
0x25: {  	[spmem:s2] =	stream.indirect.scatter.add.f32 [tilespmem:s14], [sflag:$0x1], $0x10, s3, s15, $0xb8;
	[tilespmem:$0xEE00] =	vst v63  }
0x26: {  	_ =	swait.ge [sflag:s13], $0x500  }
0x27: {  	[sflag:s13] =	ssyncset.done $0x0  }
0x28: {  	[sflag:s13] =	ssyncadd.s32 $0xFFFFFB00  }
0x29: {  	[spmem:s2] =	stream.indirect.scatter.add.f32 [tilespmem:s16], [sflag:$0x1], $0x10, s15, s15, $0xb8;
	[tilespmem:$0xEE00] =	vst v63  }
0x2a: {  	_ =	swait.ge [sflag:s13], $0x500  }
0x2b: {  	[sflag:s13] =	ssyncset.done $0x0  }
0x2c: {  	[sflag:s13] =	ssyncadd.s32 $0xFFFFFB00  }
0x2d: {  	[spmem:s2] =	stream.indirect.scatter.add.f32 [tilespmem:s18], [sflag:$0x1], $0x10, s17, s15, $0xb8;
	[tilespmem:$0xEE00] =	vst v63  }
0x2e: {  	_ =	swait.ge [sflag:s13], $0x500  }
0x2f: {  	[sflag:s13] =	ssyncset.done $0x0  }
0x30: {  	[sflag:s13] =	ssyncadd.s32 $0xFFFFFB00  }
0x31: {  	[spmem:s2] =	stream.indirect.scatter.add.f32 [tilespmem:s20], [sflag:$0x1], $0x10, s19, s15, $0xb8;
	[tilespmem:$0xEE00] =	vst v63  }
0x32: {  	_ =	swait.ge [sflag:s13], $0x500  }
0x33: {  	[sflag:s13] =	ssyncset.done $0x0  }
0x34: {  	[sflag:s13] =	ssyncadd.s32 $0xFFFFFB00  }
0x35: {  	[spmem:s2] =	stream.indirect.scatter.add.f32 [tilespmem:s22], [sflag:$0x1], $0x10, s21, s15, $0xb8;
	[tilespmem:$0xEE00] =	vst v63  }
0x36: {  	_ =	swait.ge [sflag:s13], $0x500  }
0x37: {  	[sflag:s13] =	ssyncset.done $0x0  }
0x38: {  	[sflag:s13] =	ssyncadd.s32 $0xFFFFFB00  }
0x39: {  	[spmem:s2] =	stream.indirect.scatter.add.f32 [tilespmem:s24], [sflag:$0x1], $0x10, s23, s15, $0xb8;
	[tilespmem:$0xEE00] =	vst v63  }
0x3a: {  	_ =	swait.ge [sflag:s13], $0x500  }
0x3b: {  	[sflag:s13] =	ssyncset.done $0x0  }
0x3c: {  	[sflag:s13] =	ssyncadd.s32 $0xFFFFFB00  }
0x3d: {  	[spmem:s2] =	stream.indirect.scatter.add.f32 [tilespmem:s26], [sflag:$0x1], $0x10, s25, s15, $0xb8;
	[tilespmem:$0xEE00] =	vst v63  }
0x3e: {  	_ =	swait.ge [sflag:s13], $0x500  }
0x3f: {  	[sflag:s13] =	ssyncset.done $0x0  }
0x40: {  	[sflag:s13] =	ssyncadd.s32 $0xFFFFFB00  }
0x41: {  	[spmem:s2] =	stream.indirect.scatter.add.f32 [tilespmem:s29], [sflag:$0x1], $0x10, s28, s15, $0xb8;
	[tilespmem:$0xEE00] =	vst v63  }
0x42: {  	s1 =	simm.s32 $0x1400;
	_ =	swait.ge [sflag:s13], $0x500  }
0x43: {  	s31 =	sadd.s32 $0xA000, s10;
	s0 =	simm.s32 $0xA00;
	[sflag:s13] =	ssyncset.done $0x0  }
.LBB2_2:
0x44: {  	s6 =	sadd.s32 s0, s11  }
0x45: {  	[sflag:s13] =	ssyncadd.s32 $0xFFFFFB00;
	s0 =	smov.u32 s1;
	s4 =	sadd.s32 $0xA00, s1  }
0x46: {  	[tilespmem:s3], [sflag:$0x1] =	stream.linear.gather [hbm4b:s6+s3], $0x280, $0x38;
	[tilespmem:$0xEE00] =	vst v63  }
0x47: {  	p1 =	sne.s32 s1, $0x17C00;
	_ =	swait.ge [sflag:s13], $0x280  }
0x48: {  	[sflag:s13] =	ssyncset.done $0x0  }
0x49: {  	[sflag:s13] =	ssyncadd.s32 $0xFFFFFD80  }
0x4a: {  	[tilespmem:s14], [sflag:$0x1] =	stream.linear.gather [hbm4b:s31+s3], $0x2800, $0x38;
	[tilespmem:$0xEE00] =	vst v63  }
0x4b: {  	_ =	swait.ge [sflag:s13], $0x2800  }
0x4c: {  	[sflag:s13] =	ssyncset.done $0x0  }
0x4d: {  	[sflag:s13] =	ssyncadd.s32 $0xFFFFD800  }
0x4e: {  	[spmem:s2] =	stream.indirect.scatter.add.f32 [tilespmem:s14], [sflag:$0x1], $0x10, s3, s15, $0xb8;
	[tilespmem:$0xEE00] =	vst v63  }
0x4f: {  	_ =	swait.ge [sflag:s13], $0x500  }
0x50: {  	[sflag:s13] =	ssyncset.done $0x0  }
0x51: {  	[sflag:s13] =	ssyncadd.s32 $0xFFFFFB00  }
0x52: {  	[spmem:s2] =	stream.indirect.scatter.add.f32 [tilespmem:s16], [sflag:$0x1], $0x10, s15, s15, $0xb8;
	[tilespmem:$0xEE00] =	vst v63  }
0x53: {  	_ =	swait.ge [sflag:s13], $0x500  }
0x54: {  	[sflag:s13] =	ssyncset.done $0x0  }
0x55: {  	[sflag:s13] =	ssyncadd.s32 $0xFFFFFB00  }
0x56: {  	[spmem:s2] =	stream.indirect.scatter.add.f32 [tilespmem:s18], [sflag:$0x1], $0x10, s17, s15, $0xb8;
	[tilespmem:$0xEE00] =	vst v63  }
0x57: {  	_ =	swait.ge [sflag:s13], $0x500  }
0x58: {  	[sflag:s13] =	ssyncset.done $0x0  }
0x59: {  	[sflag:s13] =	ssyncadd.s32 $0xFFFFFB00  }
0x5a: {  	[spmem:s2] =	stream.indirect.scatter.add.f32 [tilespmem:s20], [sflag:$0x1], $0x10, s19, s15, $0xb8;
	[tilespmem:$0xEE00] =	vst v63  }
0x5b: {  	_ =	swait.ge [sflag:s13], $0x500  }
0x5c: {  	[sflag:s13] =	ssyncset.done $0x0  }
0x5d: {  	[sflag:s13] =	ssyncadd.s32 $0xFFFFFB00  }
0x5e: {  	[spmem:s2] =	stream.indirect.scatter.add.f32 [tilespmem:s22], [sflag:$0x1], $0x10, s21, s15, $0xb8;
	[tilespmem:$0xEE00] =	vst v63  }
0x5f: {  	_ =	swait.ge [sflag:s13], $0x500  }
0x60: {  	[sflag:s13] =	ssyncset.done $0x0  }
0x61: {  	[sflag:s13] =	ssyncadd.s32 $0xFFFFFB00  }
0x62: {  	[spmem:s2] =	stream.indirect.scatter.add.f32 [tilespmem:s24], [sflag:$0x1], $0x10, s23, s15, $0xb8;
	[tilespmem:$0xEE00] =	vst v63  }
0x63: {  	_ =	swait.ge [sflag:s13], $0x500  }
0x64: {  	[sflag:s13] =	ssyncset.done $0x0  }
0x65: {  	[sflag:s13] =	ssyncadd.s32 $0xFFFFFB00  }
0x66: {  	[spmem:s2] =	stream.indirect.scatter.add.f32 [tilespmem:s26], [sflag:$0x1], $0x10, s25, s15, $0xb8;
	[tilespmem:$0xEE00] =	vst v63  }
0x67: {  	_ =	swait.ge [sflag:s13], $0x500  }
.Ltmp0:
0x68: {  	[sflag:s13] =	ssyncset.done $0x0;
	(pc) =	sbr.rel @p1 .LBB2_2-.Ltmp0, $4  }
0x69: {  	[sflag:s13] =	ssyncadd.s32 $0xFFFFFB00  }
0x6a: {  	[spmem:s2] =	stream.indirect.scatter.add.f32 [tilespmem:s29], [sflag:$0x1], $0x10, s28, s15, $0xb8;
	[tilespmem:$0xEE00] =	vst v63  }
0x6b: {  	_ =	swait.ge [sflag:s13], $0x500  }
0x6c: {  	s1 =	smov.u32 s4;
	s31 =	sadd.s32 $0xA000, s31;
	[sflag:s13] =	ssyncset.done $0x0  }
0x6d: {  	s0 =	sadd.s32 s0, s11;
	[sflag:s13] =	ssyncadd.s32 $0xFFFFFB00  }
0x6e: {  	[tilespmem:s3], [sflag:$0x1] =	stream.linear.gather [hbm4b:s0+s3], $0x280, $0x38;
	[tilespmem:$0xEE00] =	vst v63  }
0x6f: {  	_ =	swait.ge [sflag:s13], $0x280  }
0x70: {  	[sflag:s13] =	ssyncset.done $0x0  }
0x71: {  	[sflag:s13] =	ssyncadd.s32 $0xFFFFFD80  }
0x72: {  	[tilespmem:s14], [sflag:$0x1] =	stream.linear.gather [hbm4b:s31+s3], $0x2800, $0x38;
	[tilespmem:$0xEE00] =	vst v63  }
0x73: {  	_ =	swait.ge [sflag:s13], $0x2800  }
0x74: {  	[sflag:s13] =	ssyncset.done $0x0  }
0x75: {  	[sflag:s13] =	ssyncadd.s32 $0xFFFFD800  }
0x76: {  	[spmem:s2] =	stream.indirect.scatter.add.f32 [tilespmem:s14], [sflag:$0x1], $0x10, s3, s15, $0xb8;
	[tilespmem:$0xEE00] =	vst v63  }
0x77: {  	_ =	swait.ge [sflag:s13], $0x500  }
0x78: {  	[sflag:s13] =	ssyncset.done $0x0  }
0x79: {  	[sflag:s13] =	ssyncadd.s32 $0xFFFFFB00  }
0x7a: {  	[spmem:s2] =	stream.indirect.scatter.add.f32 [tilespmem:s16], [sflag:$0x1], $0x10, s15, s15, $0xb8;
	[tilespmem:$0xEE00] =	vst v63  }
0x7b: {  	_ =	swait.ge [sflag:s13], $0x500  }
0x7c: {  	[sflag:s13] =	ssyncset.done $0x0  }
0x7d: {  	[sflag:s13] =	ssyncadd.s32 $0xFFFFFB00  }
0x7e: {  	[spmem:s2] =	stream.indirect.scatter.add.f32 [tilespmem:s18], [sflag:$0x1], $0x10, s17, s15, $0xb8;
	[tilespmem:$0xEE00] =	vst v63  }
0x7f: {  	_ =	swait.ge [sflag:s13], $0x500  }
0x80: {  	[sflag:s13] =	ssyncset.done $0x0  }
0x81: {  	[sflag:s13] =	ssyncadd.s32 $0xFFFFFB00  }
0x82: {  	[spmem:s2] =	stream.indirect.scatter.add.f32 [tilespmem:s20], [sflag:$0x1], $0x10, s19, s15, $0xb8;
	[tilespmem:$0xEE00] =	vst v63  }
0x83: {  	_ =	swait.ge [sflag:s13], $0x500  }
0x84: {  	[sflag:s13] =	ssyncset.done $0x0  }
0x85: {  	[sflag:s13] =	ssyncadd.s32 $0xFFFFFB00  }
0x86: {  	[spmem:s2] =	stream.indirect.scatter.add.f32 [tilespmem:s22], [sflag:$0x1], $0x10, s21, s15, $0xb8;
	[tilespmem:$0xEE00] =	vst v63  }
0x87: {  	_ =	swait.ge [sflag:s13], $0x500  }
0x88: {  	[sflag:s13] =	ssyncset.done $0x0  }
0x89: {  	[sflag:s13] =	ssyncadd.s32 $0xFFFFFB00  }
0x8a: {  	[spmem:s2] =	stream.indirect.scatter.add.f32 [tilespmem:s24], [sflag:$0x1], $0x10, s23, s15, $0xb8;
	[tilespmem:$0xEE00] =	vst v63  }
0x8b: {  	_ =	swait.ge [sflag:s13], $0x500  }
0x8c: {  	[sflag:s13] =	ssyncset.done $0x0  }
0x8d: {  	[sflag:s13] =	ssyncadd.s32 $0xFFFFFB00  }
0x8e: {  	[spmem:s2] =	stream.indirect.scatter.add.f32 [tilespmem:s26], [sflag:$0x1], $0x10, s25, s15, $0xb8;
	[tilespmem:$0xEE00] =	vst v63  }
0x8f: {  	_ =	swait.ge [sflag:s13], $0x500  }
0x90: {  	[sflag:s13] =	ssyncset.done $0x0  }
0x91: {  	[sflag:s13] =	ssyncadd.s32 $0xFFFFFB00  }
0x92: {  	[spmem:s2] =	stream.indirect.scatter.add.f32 [tilespmem:s29], [sflag:$0x1], $0x10, s28, s15, $0xb8;
	[tilespmem:$0xEE00] =	vst v63  }
0x93: {  	_ =	swait.ge [sflag:s13], $0x500  }
0x94: {  	[sflag:s13] =	ssyncset.done $0x0  }
0x95: {  	s0 =	simm.s32 @!p0 $0x0;
	s1 =	rddreg [dreg:$0x4];
	[sflag:s13] =	ssyncadd.s32 $0xFFFFFB00  }
0x96: {  	[tilespmem:s0], [sflag:$0x1] =	stream.linear.gather @!p0 [hbm4b:s1+s0], $0x280, $0x38;
	[tilespmem:$0xEE00] =	vst v63  }
0x97: {  	s1 =	simm.s32 @!p0 $0x1  }
0x98: {  	_ =	swait.ge @!p0 [sflag:s1], $0x280  }
0x99: {  	[sflag:s1] =	ssyncset.done @!p0 $0x0  }
0x9a: {  	s4 =	simm.s32 @!p0 $0x280;
	[sflag:s1] =	ssyncadd.s32 @!p0 $0xFFFFFD80  }
0x9b: {  	[tilespmem:s4], [sflag:$0x1] =	stream.linear.gather @!p0 [hbm4b:s7+s0], $0x2800, $0x38;
	[tilespmem:$0xEE00] =	vst v63  }
0x9c: {  	_ =	swait.ge @!p0 [sflag:s1], $0x2800  }
0x9d: {  	[sflag:s1] =	ssyncset.done @!p0 $0x0  }
0x9e: {  	s6 =	simm.s32 @!p0 $0x50;
	[sflag:s1] =	ssyncadd.s32 @!p0 $0xFFFFD800  }
0x9f: {  	[spmem:s2] =	stream.indirect.scatter.add.f32 @!p0 [tilespmem:s4], [sflag:$0x1], $0x10, s0, s6, $0xb8;
	[tilespmem:$0xEE00] =	vst v63  }
0xa0: {  	_ =	swait.ge @!p0 [sflag:s1], $0x500  }
0xa1: {  	[sflag:s1] =	ssyncset.done @!p0 $0x0  }
0xa2: {  	s0 =	simm.s32 @!p0 $0x780;
	[sflag:s1] =	ssyncadd.s32 @!p0 $0xFFFFFB00  }
0xa3: {  	[spmem:s2] =	stream.indirect.scatter.add.f32 @!p0 [tilespmem:s0], [sflag:$0x1], $0x10, s6, s6, $0xb8;
	[tilespmem:$0xEE00] =	vst v63  }
0xa4: {  	_ =	swait.ge @!p0 [sflag:s1], $0x500  }
0xa5: {  	[sflag:s1] =	ssyncset.done @!p0 $0x0  }
0xa6: {  	s4 =	simm.s32 @!p0 $0xC80;
	s0 =	simm.s32 @!p0 $0xA0;
	[sflag:s1] =	ssyncadd.s32 @!p0 $0xFFFFFB00  }
0xa7: {  	[spmem:s2] =	stream.indirect.scatter.add.f32 @!p0 [tilespmem:s4], [sflag:$0x1], $0x10, s0, s6, $0xb8;
	[tilespmem:$0xEE00] =	vst v63  }
0xa8: {  	_ =	swait.ge @!p0 [sflag:s1], $0x500  }
0xa9: {  	[sflag:s1] =	ssyncset.done @!p0 $0x0  }
0xaa: {  	s0 =	simm.s32 @!p0 $0xF0;
	s4 =	simm.s32 @!p0 $0x1180;
	[sflag:s1] =	ssyncadd.s32 @!p0 $0xFFFFFB00  }
0xab: {  	[spmem:s2] =	stream.indirect.scatter.add.f32 @!p0 [tilespmem:s4], [sflag:$0x1], $0x10, s0, s6, $0xb8;
	[tilespmem:$0xEE00] =	vst v63  }
0xac: {  	_ =	swait.ge @!p0 [sflag:s1], $0x500  }
0xad: {  	[sflag:s1] =	ssyncset.done @!p0 $0x0  }
0xae: {  	s0 =	simm.s32 @!p0 $0x140;
	s4 =	simm.s32 @!p0 $0x1680;
	[sflag:s1] =	ssyncadd.s32 @!p0 $0xFFFFFB00  }
0xaf: {  	[spmem:s2] =	stream.indirect.scatter.add.f32 @!p0 [tilespmem:s4], [sflag:$0x1], $0x10, s0, s6, $0xb8;
	[tilespmem:$0xEE00] =	vst v63  }
0xb0: {  	_ =	swait.ge @!p0 [sflag:s1], $0x500  }
0xb1: {  	[sflag:s1] =	ssyncset.done @!p0 $0x0  }
0xb2: {  	s0 =	simm.s32 @!p0 $0x190;
	s4 =	simm.s32 @!p0 $0x1B80;
	[sflag:s1] =	ssyncadd.s32 @!p0 $0xFFFFFB00  }
0xb3: {  	[spmem:s2] =	stream.indirect.scatter.add.f32 @!p0 [tilespmem:s4], [sflag:$0x1], $0x10, s0, s6, $0xb8;
	[tilespmem:$0xEE00] =	vst v63  }
0xb4: {  	_ =	swait.ge @!p0 [sflag:s1], $0x500  }
0xb5: {  	[sflag:s1] =	ssyncset.done @!p0 $0x0  }
0xb6: {  	s0 =	simm.s32 @!p0 $0x1E0;
	s4 =	simm.s32 @!p0 $0x2080;
	[sflag:s1] =	ssyncadd.s32 @!p0 $0xFFFFFB00  }
0xb7: {  	[spmem:s2] =	stream.indirect.scatter.add.f32 @!p0 [tilespmem:s4], [sflag:$0x1], $0x10, s0, s6, $0xb8;
	[tilespmem:$0xEE00] =	vst v63  }
0xb8: {  	_ =	swait.ge @!p0 [sflag:s1], $0x500  }
0xb9: {  	[sflag:s1] =	ssyncset.done @!p0 $0x0  }
0xba: {  	s0 =	simm.s32 @!p0 $0x230;
	s4 =	simm.s32 @!p0 $0x2580;
	[sflag:s1] =	ssyncadd.s32 @!p0 $0xFFFFFB00  }
0xbb: {  	[spmem:s2] =	stream.indirect.scatter.add.f32 @!p0 [tilespmem:s4], [sflag:$0x1], $0x10, s0, s6, $0xb8;
	[tilespmem:$0xEE00] =	vst v63  }
0xbc: {  	_ =	swait.ge @!p0 [sflag:s1], $0x500  }
0xbd: {  	s30 =	sadd.s32 $0x1, s30;
	[sflag:s1] =	ssyncset.done @!p0 $0x0  }
0xbe: {  	p1 =	sne.s32 s30, s9;
	[sflag:s1] =	ssyncadd.s32 @!p0 $0xFFFFFB00  }
.Ltmp1:
0xbf: {  	[bflag:$0x0] =	sbarrier.arrive $0xFFFF;
	(pc) =	sbr.rel @p1 .LBB2_1-.Ltmp1, $4  }
0xc0: {  	[hbm:s8], [sflag:s5] =	dma.local [spmem:s12], $0x1870  }
0xc1: {  	_ =	swait.ge [sflag:s13], $0x1870  }
0xc2: {  	[sflag:s13] =	ssyncset.done $0x0  }
0xc3: {  	[sflag:s13] =	ssyncadd.s32 $0xFFFFE790  }
0xc4: {  	_ =	sfence.sel $0x180000  }
0xc5: {  	[bflag:$0x0] =	sbarrier.arrive $0xFFFF  }
0xc6: {  	_ =	strace $0x90000047  }
0xc7: {  	s0 =	stileid.u32;
	[bflag:$0x2] =	sbarrier.arrive $0xFFFF  }
0xc8: {  	p0 =	sne.s32 s0, $0x0;
	s0 =	rddreg [dreg:$0x2]  }
0xc9: {  	s0 =	sadd.s32 @!p0 $0x100000, s0  }
0xca: {  	[sflag:s0] =	ssyncadd.tile.s32 @!p0 $0x1;
	_ =	shalt  }
.Lfunc_end2:
_tile_overlayer_lowered:
.L_overlay_start_2:
0xcb: {  	(tag) =	ssettag $0x2  }
0xcc: {  	s0 =	rddreg [dreg:$0x0];
	s2 =	stileid.u32  }
0xcd: {  	s1 =	rddreg [dreg:$0x1];
	p0 =	sne.s32 s2, $0x0  }
0xce: {  	s3 =	rddreg [dreg:$0x2];
	[bflag:$0x3] =	sbarrier.arrive $0xFFFF;
	s2 =	simm.s32 @!p0 $0x1C01  }
0xcf: {  	[timem:s3], [sflag:s2] =	dma.local @!p0 [hbm:s0], s1  }
0xd0: {  	s0 =	simm.s32 @!p0 $0x1  }
0xd1: {  	_ =	swait.ge @!p0 [sflag:s0], s1  }
0xd2: {  	s1 =	ssub.s32 @!p0 $0x0, s1;
	[sflag:s0] =	ssyncset.done @!p0 $0x0  }
0xd3: {  	[sflag:s0] =	ssyncadd.s32 @!p0 s1  }
0xd4: {  	[bflag:$0x3] =	sbarrier.arrive $0xFFFF  }
0xd5: {  	_ =	shalt  }

// kernel: kernel.8.cloned.1.call-start
scs
__scs_entry_jumppad:
0x0: {  	(pc) =	sbr.rel $0x88, $3  }
0x1: {  	(tag) =	ssettag $0x0;
	lr =	simm.s32 $0x1  }
0x2: {  	[smem:$0x3F98] =	sst lr;
	_ =	strace $0xD0000000  }
0x3: {  	_ = 	snop  }
0x4: {  	_ = 	snop  }
0x5: {  	_ = 	snop  }
0x6: {  	_ = 	snop  }
0x7: {  	_ = 	snop  }
__scs_overlays_trampoline_lowered:
0x8: {  	[smem:$0x3FA7] =	sst s0  }
0x9: {  	[smem:$0x3FA8] =	sst s1  }
0xa: {  	[smem:$0x3FA9] =	sst s2  }
0xb: {  	[smem:$0x3FAA] =	sst s3  }
0xc: {  	[smem:$0x3FAB] =	sst s4  }
0xd: {  	[smem:$0x3FAC] =	sst s5  }
0xe: {  	[smem:$0x3FAD] =	sst s6  }
0xf: {  	[smem:$0x3FAE] =	sst s7  }
0x10: {  	[smem:$0x3FAF] =	sst s8  }
0x11: {  	[smem:$0x3FB0] =	sst s9;
	s0 =	simm.s32 @!p0 $0x0  }
0x12: {  	s1 =	sld [smem:$0x3F96];
	s0 =	simm.s32 @p0 $0x1  }
0x13: {  	[smem:$0x3FB1] =	sst s0;
	s0 =	simm.s32 @!p1 $0x0  }
0x14: {  	s2 =	sld [smem:$0x3F95];
	s0 =	simm.s32 @p1 $0x1  }
0x15: {  	[smem:$0x3FB2] =	sst s0;
	s0 =	simm.s32 @!p2 $0x0  }
0x16: {  	s3 =	sld [smem:$0x3FDB];
	s0 =	simm.s32 @p2 $0x1  }
0x17: {  	s4 =	simm.s32 $0x1BF5;
	[smem:$0x3FB4] =	sst s0  }
0x18: {  	s0 =	sld [smem:$0x3F97];
	_ =	swait.ge [sflag:s4], $0x0  }
0x19: {  	s7 =	sld [smem:$0x3F98]  }
0x1a: {  	s8 =	sadd.s32 $0xFFFFE003, lr  }
0x1b: {  	s9 =	sadd.s32 $0xFFFFFEF7, lr;
	s5 =	simm.s32 $0xFFFFFFFF;
	p2 =	slt.u32 s8, $0xFFFFF086  }
0x1c: {  	p1 =	slt.u32 s9, $0xF7A;
	s5 =	simm.s32 @!p2 $0x0  }
0x1d: {  	s5 =	simm.s32 @p1 $0x1;
	p0 =	seq.s32 s7, s2  }
0x1e: {  	s7 =	smul.u32 @!p0 $0xF7A, s2;
	p2 =	seq.s32 @!p0 s5, $0x0  }
0x1f: {  	s9 =	smul.u32 $0xF7A, s1;
	s8 =	simm.s32 @!p0 $0x1BF5;
	p2 =	por !p2, p0  }
0x20: {  	[sflag:s8] =	ssyncset.s32 @!p0 $0xFFFFF086;
	s6 =	sadd.s32 @!p0 s3, s7;
	s7 =	simm.s32 @!p0 $0x108  }
0x21: {  	s3 =	sadd.s32 s3, s9;
	s6 =	sadd.s32 @!p0 $0x88, s6;
	s7 =	simm.s32 @p2 $0x1082  }
0x22: {  	[simem:s7], [sflag:s8] =	dma.local @!p0 [hbm:s6], $0xF7A  }
0x23: {  	s9 =	sor.u32 $0xD0000000, s2;
	s6 =	simm.s32 $0x108;
	_ =	swait.ge @!p0 [sflag:s8], $0x0  }
0x24: {  	s3 =	sadd.s32 $0x88, s3;
	s6 =	simm.s32 @!p1 $0x1082;
	[sflag:s4] =	ssyncset.s32 $0xFFFFF086  }
0x25: {  	[simem:s6], [sflag:s4] =	dma.local [hbm:s3], $0xF7A  }
0x26: {  	[smem:$0x3F98] =	sst s1;
	(tag) =	ssettag s2;
	_ =	strace s9  }
0x27: {  	s1 =	sld [smem:$0x3FA8]  }
0x28: {  	s2 =	sld [smem:$0x3FA9]  }
0x29: {  	s4 =	sld [smem:$0x3FAB]  }
0x2a: {  	p0 =	seq.s32 s5, $0x0;
	s5 =	sld [smem:$0x3FAC]  }
0x2b: {  	s6 =	sld [smem:$0x3FAD]  }
0x2c: {  	s7 =	sld [smem:$0x3FAE]  }
0x2d: {  	s3 =	simm.s32 $0x108;
	s8 =	sld [smem:$0x3FAF]  }
0x2e: {  	s3 =	simm.s32 @!p0 $0x1082;
	s9 =	sld [smem:$0x3FB0]  }
0x2f: {  	lr =	sadd.s32 s0, s3;
	s0 =	sld [smem:$0x3FA7]  }
0x30: {  	s3 =	sld [smem:$0x3FAA]  }
0x31: {  	[smem:$0x3FB3] =	sst s10  }
0x32: {  	s10 =	sld [smem:$0x3FB1];
	_ =	sdelay $0x3  }
0x33: {  	p0 =	seq.s32 s10, $0x1;
	s10 =	sld [smem:$0x3FB3];
	_ =	sdelay $0x3  }
0x34: {  	[smem:$0x3FB3] =	sst s10  }
0x35: {  	s10 =	sld [smem:$0x3FB2];
	_ =	sdelay $0x3  }
0x36: {  	p1 =	seq.s32 s10, $0x1;
	s10 =	sld [smem:$0x3FB3];
	_ =	sdelay $0x3  }
0x37: {  	[smem:$0x3FB3] =	sst s10  }
0x38: {  	s10 =	sld [smem:$0x3FB4]  }
0x39: {  	_ = 	snop;
	(pc) =	sbr.ind lr, $3  }
0x3a: {  	_ = 	snop  }
0x3b: {  	_ = 	snop  }
0x3c: {  	p2 =	seq.s32 s10, $0x1;
	s10 =	sld [smem:$0x3FB3]  }
0x3d: {  	_ =	shalt  }
0x3e: {  	_ =	shalt  }
0x3f: {  	_ =	shalt  }
0x40: {  	_ =	shalt  }
0x41: {  	_ =	shalt  }
0x42: {  	_ =	shalt  }
0x43: {  	_ =	shalt  }
0x44: {  	_ =	shalt  }
0x45: {  	_ =	shalt  }
0x46: {  	_ =	shalt  }
0x47: {  	_ =	shalt  }
0x48: {  	_ =	shalt  }
0x49: {  	_ =	shalt  }
0x4a: {  	_ =	shalt  }
0x4b: {  	_ =	shalt  }
0x4c: {  	_ =	shalt  }
0x4d: {  	_ =	shalt  }
0x4e: {  	_ =	shalt  }
0x4f: {  	_ =	shalt  }
0x50: {  	_ =	shalt  }
0x51: {  	_ =	shalt  }
0x52: {  	_ =	shalt  }
0x53: {  	_ =	shalt  }
0x54: {  	_ =	shalt  }
0x55: {  	_ =	shalt  }
0x56: {  	_ =	shalt  }
0x57: {  	_ =	shalt  }
0x58: {  	_ =	shalt  }
0x59: {  	_ =	shalt  }
0x5a: {  	_ =	shalt  }
0x5b: {  	_ =	shalt  }
0x5c: {  	_ =	shalt  }
0x5d: {  	_ =	shalt  }
0x5e: {  	_ =	shalt  }
0x5f: {  	_ =	shalt  }
0x60: {  	_ =	shalt  }
0x61: {  	_ =	shalt  }
0x62: {  	_ =	shalt  }
0x63: {  	_ =	shalt  }
0x64: {  	_ =	shalt  }
0x65: {  	_ =	shalt  }
0x66: {  	_ =	shalt  }
0x67: {  	_ =	shalt  }
0x68: {  	_ =	shalt  }
0x69: {  	_ =	shalt  }
0x6a: {  	_ =	shalt  }
0x6b: {  	_ =	shalt  }
0x6c: {  	_ =	shalt  }
0x6d: {  	_ =	shalt  }
0x6e: {  	_ =	shalt  }
0x6f: {  	_ =	shalt  }
0x70: {  	_ =	shalt  }
0x71: {  	_ =	shalt  }
0x72: {  	_ =	shalt  }
0x73: {  	_ =	shalt  }
0x74: {  	_ =	shalt  }
0x75: {  	_ =	shalt  }
0x76: {  	_ =	shalt  }
0x77: {  	_ =	shalt  }
0x78: {  	_ =	shalt  }
0x79: {  	_ =	shalt  }
0x7a: {  	_ =	shalt  }
0x7b: {  	_ =	shalt  }
0x7c: {  	_ =	shalt  }
0x7d: {  	_ =	shalt  }
0x7e: {  	_ =	shalt  }
0x7f: {  	_ =	shalt  }
0x80: {  	_ =	shalt  }
0x81: {  	_ =	shalt  }
0x82: {  	_ =	shalt  }
0x83: {  	_ =	shalt  }
0x84: {  	_ =	shalt  }
0x85: {  	_ =	shalt  }
0x86: {  	_ =	shalt  }
0x87: {  	_ =	shalt  }
.Lfunc_end0:
.L_simem_size_0:
called_computation_lowered:
.L_overlay_start_0:
0x88: {  	s2 =	sld [smem:$0x3FD9]  }
0x89: {  	s3 =	sld [smem:$0x3FFE];
	_ =	sdelay $0x1  }
0x8a: {  	s1 =	srdreg.scid  }
0x8b: {  	s0 =	sand.u32 $0x1, s1  }
0x8c: {  	s17 =	sshll.u32 s0, $0xA;
	s2 =	sadd.s32 s3, s2  }
0x8d: {  	s2 =	sadd.s32 s2, s17  }
0x8e: {  	[smem:$0x3FBF] =	sst s2  }
0x8f: {  	_ = 	snop  }
0x90: {  	s18 =	sld [smem:$0x3FD0];
	(tm) =	ssettm $0x1  }
0x91: {  	s19 =	sld [smem:$0x3FFB];
	_ =	sdelay $0x3  }
0x92: {  	_ =	strace s19  }
0x93: {  	s2 =	sld [smem:$0x3FFC];
	_ =	sdelay $0x3  }
0x94: {  	_ =	strace s2  }
0x95: {  	s2 =	sld [smem:$0x3FFD];
	_ =	sdelay $0x3  }
0x96: {  	_ =	strace s2  }
0x97: {  	_ =	strace $0x8FFFFFFF  }
0x98: {  	s20 =	sld [smem:$0x3FDB];
	_ =	sdelay $0x1  }
0x99: {  	s4 =	simm.s32 $_scs_section_size  }
0x9a: {  	s5 =	simm.s32 $_size__tile_overlayer_lowered;
	s6 =	simm.s32 $_tile_overlayer_lowered  }
0x9b: {  	s7 =	simm.s32 $0x1BFF;
	s21 =	sshll.u32 s6, $0x1;
	s4 =	sadd.s32 s4, s20  }
0x9c: {  	s22 =	simm.s32 $0x0;
	s5 =	sshll.u32 s5, $0x1;
	s6 =	sadd.s32 s21, s4  }
0x9d: {  	[timem:s22], [sflag:s7] =	dma.local [hbm:s6], s5  }
0x9e: {  	_ =	swait.ge [sflag:s7], s5  }
0x9f: {  	s5 =	ssub.s32 $0x0, s5;
	[sflag:s7] =	ssyncset.done $0x0  }
0xa0: {  	[sflag:s7] =	ssyncadd.s32 s5;
	_ =	sdelay $0x1  }
0xa1: {  	s23 =	simm.s32 $0x1B8B  }
0xa2: {  	_ =	swait.ge [sflag:s23], $0x1  }
0xa3: {  	[sflag:s23] =	ssyncset.done $0x0  }
0xa4: {  	[sflag:s23] =	ssyncadd.s32 $0xFFFFFFFF  }
0xa5: {  	s5 =	sld [smem:$0x0]  }
0xa6: {  	s6 =	sand.u32 $0xFFFFFFFE, s1  }
0xa7: {  	p0 =	sne.s32 s1, s6  }
0xa8: {  	s6 =	sshll.u32 @p0 s6, $0xE  }
0xa9: {  	s6 =	sadd.s32 @p0 $0x11B8D, s6;
	s7 =	sshll.u32 @p0 s5, $0x11  }
0xaa: {  	s6 =	sor.u32 @p0 s7, s6  }
0xab: {  	[sflag:s6] =	ssyncadd.remote.s32 @p0 $0x1;
	_ =	sdelay $0x1  }
0xac: {  	s6 =	simm.s32 @p0 $0x1B8D  }
0xad: {  	_ =	swait.eq @p0 [sflag:s6], $0x1  }
0xae: {  	[sflag:s6] =	ssyncadd.s32 @p0 $0xFFFFFFFF  }
0xaf: {  	s7 =	sshll.u32 @!p0 s1, $0xE  }
0xb0: {  	s7 =	sor.u32 @!p0 $0x4000, s7;
	s6 =	simm.s32 @!p0 $0x1B8D  }
0xb1: {  	s5 =	sshll.u32 @!p0 s5, $0x11;
	s7 =	sadd.s32 @!p0 $0x11B8D, s7;
	_ =	swait.eq @!p0 [sflag:s6], $0x1  }
0xb2: {  	s5 =	sor.u32 @!p0 s5, s7;
	[sflag:s6] =	ssyncadd.s32 @!p0 $0xFFFFFFFF  }
0xb3: {  	s25 =	simm.s32 $0x1B8E;
	s24 =	sld [smem:$0x3FFE];
	[sflag:s5] =	ssyncadd.remote.s32 @!p0 $0x1  }
0xb4: {  	s26 =	simm.s32 $execute0_lowered;
	[smem:$0x3FD2] =	sst s25  }
0xb5: {  	s6 =	sshll.u32 s26, $0x1;
	_ =	strace $0x80000049;
	[dreg:$0x1] =	wrdreg $0xFFFFFFFF  }
0xb6: {  	s28 =	simm.s32 $_size_execute0_lowered;
	s4 =	sadd.s32 s4, s6;
	[dreg:$0x0] =	wrdreg $0x0  }
0xb7: {  	s6 =	sshll.u32 s28, $0x1;
	[dreg:$0x2] =	wrdreg s4  }
0xb8: {  	[dreg:$0x3] =	wrdreg s6  }
0xb9: {  	[dreg:$0x4] =	wrdreg $0xC0  }
0xba: {  	_ =	task [dreg:s22], $0x5FFFF  }
0xbb: {  	[dreg:$0x1] =	wrdreg $0xFFFFFFFF  }
0xbc: {  	[dreg:$0x0] =	wrdreg $0x60  }
0xbd: {  	[dreg:$0x2] =	wrdreg s24  }
0xbe: {  	[dreg:$0x3] =	wrdreg s18  }
0xbf: {  	[dreg:$0x4] =	wrdreg $0x2A800  }
0xc0: {  	[dreg:$0x5] =	wrdreg $0x9  }
0xc1: {  	_ =	task.clear_ibuf [dreg:s22], $0x6FFFF;
	_ =	strace $0x90000049  }
0xc2: {  	s29 =	simm.s32 $0x9;
	_ =	strace $0x8000004B  }
0xc3: {  	_ =	swait.ge [sflag:s29], $0x1  }
0xc4: {  	[sflag:s29] =	ssyncadd.s32 $0xFFFFFFFF  }
0xc5: {  	_ =	strace $0x9000004B  }
0xc6: {  	_ =	sfence  }
0xc7: {  	s30 =	sld [smem:$0x0];
	_ =	sdelay $0x2  }
0xc8: {  	s31 =	sshll.u32 s1, $0xD;
	s1 =	sshrl.u32 s1, $0x2  }
0xc9: {  	s4 =	sand.u32 $0x4000, s31;
	s1 =	sadd.s32 s1, s30  }
0xca: {  	s0 =	sor.u32 s4, s0;
	s1 =	sshll.u32 s1, $0x11  }
0xcb: {  	s0 =	sor.u32 s1, s0  }
0xcc: {  	s0 =	sadd.s32 $0x8F2B, s0  }
0xcd: {  	[sflag:s0] =	ssyncadd.remote.s32 $0x1  }
0xce: {  	_ =	sfence.sel $0xFFFF  }
0xcf: {  	[dreg:$0x0] =	wrdreg $0xFFFFFFFF;
	(pc) =	sbr.abs _section_cstart, $3  }
0xd0: {  	[dreg:$0x1] =	wrdreg $0xFFFFFFFF  }
0xd1: {  	_ =	task.clear_ibuf [dreg:s22], $0x2FFFF;
	_ =	strace $0x9FFFFFFF  }
0xd2: {  	(tm) =	ssettm $0x7FFFFFFF  }
0xd3: {  	_ =	shalt  }
tec
execute0_lowered:
.L_overlay_start_1:
0x0: {  	(tag) =	ssettag $0x1  }
0x1: {  	s0 =	rddreg [dreg:$0x0]  }
0x2: {  	s1 =	rddreg [dreg:$0x1]  }
0x3: {  	s2 =	rddreg [dreg:$0x2];
	s3 =	simm.s32 $0x0;
	s26 =	stileid.u32  }
0x4: {  	s4 =	srdreg.scid;
	s18 =	simm.s32 $0xC80;
	s28 =	simm.s32 $0x230  }
0x5: {  	s29 =	simm.s32 $0x2580;
	s30 =	simm.s32 $0x0;
	[smem:$0x7FF] =	sst s3  }
0x6: {  	s4 =	sand.u32 $0x1, s4;
	s10 =	sadd.s32 $0x4F3E00, s0;
	s6 =	smul.u32 $0xC380, s26  }
0x7: {  	s5 =	sshll.u32 s26, $0x1;
	s11 =	sadd.s32 $0x1ECE00, s0;
	s15 =	smul.u32 $0xA00, s26  }
0x8: {  	s21 =	sshll.u32 s26, $0x6;
	s17 =	smul.u32 $0xA0, s26;
	p0 =	sgt.u32 s26, $0xB  }
0x9: {  	s26 =	simm.s32 $0x2080;
	_ =	strace $0x8000004A;
	s20 =	smul.u32 $0xC3800, s4  }
0xa: {  	s5 =	sor.u32 s4, s5;
	s8 =	ssub.s32 $0x2, s4;
	s16 =	smul.u32 $0x500, s4  }
0xb: {  	s24 =	smul.u32 $0x50, s4;
	s5 =	sor.u32 $0x4C0, s5;
	s7 =	sshrl.u32 s6, $0x3  }
0xc: {  	s19 =	sshrl.u32 s8, $0x1;
	s14 =	sadd.s32 s6, s2;
	s25 =	sadd.s32 s15, s11  }
0xd: {  	s31 =	sadd.s32 s17, s10;
	s15 =	simm.s32 $0x50;
	s9 =	smul.u32 $0x50, s5  }
0xe: {  	s17 =	simm.s32 $0xA0;
	s0 =	sadd.s32 s7, s0;
	s12 =	smul.u32 $0x500, s5  }
0xf: {  	s13 =	ssub.s32 s8, s19;
	s5 =	sor.u32 $0x1C01, s21;
	s22 =	sadd.s32 s6, s20  }
0x10: {  	s19 =	simm.s32 $0xF0;
	s20 =	simm.s32 $0x1180;
	s0 =	sadd.s32 $0x1A3800, s0  }
0x11: {  	s21 =	simm.s32 $0x140;
	[dreg:$0x4] =	wrdreg s0;
	s23 =	sadd.s32 s10, s9  }
0x12: {  	s0 =	sshrl.u32 s22, $0x3;
	s7 =	sadd.s32 s11, s12;
	s9 =	smax.u32 s13, $0x1  }
0x13: {  	s10 =	sadd.s32 s16, s25;
	s11 =	sadd.s32 s24, s31;
	s12 =	sshrl.u32 s14, $0x3  }
0x14: {  	s13 =	simm.s32 $0x1;
	s14 =	simm.s32 $0x280;
	s16 =	simm.s32 $0x780  }
0x15: {  	s22 =	simm.s32 $0x1680;
	s24 =	simm.s32 $0x1B80;
	s25 =	simm.s32 $0x1E0  }
0x16: {  	[dreg:$0x5] =	wrdreg s23;
	s8 =	sadd.s32 s1, s0;
	s23 =	simm.s32 $0x190  }
.LBB2_1:
0x17: {  	s0 =	rddreg [dreg:$0x4]  }
0x18: {  	[spmem:s12], [sflag:s5] =	dma.local [hbm:s0], $0x1870  }
0x19: {  	_ =	swait.ge [sflag:s13], $0x1870  }
0x1a: {  	[sflag:s13] =	ssyncset.done $0x0  }
0x1b: {  	[sflag:s13] =	ssyncadd.s32 $0xFFFFE790  }
0x1c: {  	s6 =	sadd.s32 $0x0, s11;
	[bflag:$0x0] =	sbarrier.arrive $0xFFFF  }
0x1d: {  	[tilespmem:s3], [sflag:$0x1] =	stream.linear.gather [hbm4b:s6+s3], $0x280, $0x38;
	[tilespmem:$0xEE00] =	vst v63  }
0x1e: {  	_ =	swait.ge [sflag:s13], $0x280  }
0x1f: {  	[sflag:s13] =	ssyncset.done $0x0  }
0x20: {  	[sflag:s13] =	ssyncadd.s32 $0xFFFFFD80  }
0x21: {  	[tilespmem:s14], [sflag:$0x1] =	stream.linear.gather [hbm4b:s10+s3], $0x2800, $0x38;
	[tilespmem:$0xEE00] =	vst v63  }
0x22: {  	_ =	swait.ge [sflag:s13], $0x2800  }
0x23: {  	[sflag:s13] =	ssyncset.done $0x0  }
0x24: {  	[sflag:s13] =	ssyncadd.s32 $0xFFFFD800  }
0x25: {  	[spmem:s2] =	stream.indirect.scatter.add.f32 [tilespmem:s14], [sflag:$0x1], $0x10, s3, s15, $0xb8;
	[tilespmem:$0xEE00] =	vst v63  }
0x26: {  	_ =	swait.ge [sflag:s13], $0x500  }
0x27: {  	[sflag:s13] =	ssyncset.done $0x0  }
0x28: {  	[sflag:s13] =	ssyncadd.s32 $0xFFFFFB00  }
0x29: {  	[spmem:s2] =	stream.indirect.scatter.add.f32 [tilespmem:s16], [sflag:$0x1], $0x10, s15, s15, $0xb8;
	[tilespmem:$0xEE00] =	vst v63  }
0x2a: {  	_ =	swait.ge [sflag:s13], $0x500  }
0x2b: {  	[sflag:s13] =	ssyncset.done $0x0  }
0x2c: {  	[sflag:s13] =	ssyncadd.s32 $0xFFFFFB00  }
0x2d: {  	[spmem:s2] =	stream.indirect.scatter.add.f32 [tilespmem:s18], [sflag:$0x1], $0x10, s17, s15, $0xb8;
	[tilespmem:$0xEE00] =	vst v63  }
0x2e: {  	_ =	swait.ge [sflag:s13], $0x500  }
0x2f: {  	[sflag:s13] =	ssyncset.done $0x0  }
0x30: {  	[sflag:s13] =	ssyncadd.s32 $0xFFFFFB00  }
0x31: {  	[spmem:s2] =	stream.indirect.scatter.add.f32 [tilespmem:s20], [sflag:$0x1], $0x10, s19, s15, $0xb8;
	[tilespmem:$0xEE00] =	vst v63  }
0x32: {  	_ =	swait.ge [sflag:s13], $0x500  }
0x33: {  	[sflag:s13] =	ssyncset.done $0x0  }
0x34: {  	[sflag:s13] =	ssyncadd.s32 $0xFFFFFB00  }
0x35: {  	[spmem:s2] =	stream.indirect.scatter.add.f32 [tilespmem:s22], [sflag:$0x1], $0x10, s21, s15, $0xb8;
	[tilespmem:$0xEE00] =	vst v63  }
0x36: {  	_ =	swait.ge [sflag:s13], $0x500  }
0x37: {  	[sflag:s13] =	ssyncset.done $0x0  }
0x38: {  	[sflag:s13] =	ssyncadd.s32 $0xFFFFFB00  }
0x39: {  	[spmem:s2] =	stream.indirect.scatter.add.f32 [tilespmem:s24], [sflag:$0x1], $0x10, s23, s15, $0xb8;
	[tilespmem:$0xEE00] =	vst v63  }
0x3a: {  	_ =	swait.ge [sflag:s13], $0x500  }
0x3b: {  	[sflag:s13] =	ssyncset.done $0x0  }
0x3c: {  	[sflag:s13] =	ssyncadd.s32 $0xFFFFFB00  }
0x3d: {  	[spmem:s2] =	stream.indirect.scatter.add.f32 [tilespmem:s26], [sflag:$0x1], $0x10, s25, s15, $0xb8;
	[tilespmem:$0xEE00] =	vst v63  }
0x3e: {  	_ =	swait.ge [sflag:s13], $0x500  }
0x3f: {  	[sflag:s13] =	ssyncset.done $0x0  }
0x40: {  	[sflag:s13] =	ssyncadd.s32 $0xFFFFFB00  }
0x41: {  	[spmem:s2] =	stream.indirect.scatter.add.f32 [tilespmem:s29], [sflag:$0x1], $0x10, s28, s15, $0xb8;
	[tilespmem:$0xEE00] =	vst v63  }
0x42: {  	s1 =	simm.s32 $0x1400;
	_ =	swait.ge [sflag:s13], $0x500  }
0x43: {  	s31 =	sadd.s32 $0xA000, s10;
	s0 =	simm.s32 $0xA00;
	[sflag:s13] =	ssyncset.done $0x0  }
.LBB2_2:
0x44: {  	s6 =	sadd.s32 s0, s11  }
0x45: {  	[sflag:s13] =	ssyncadd.s32 $0xFFFFFB00;
	s0 =	smov.u32 s1;
	s4 =	sadd.s32 $0xA00, s1  }
0x46: {  	[tilespmem:s3], [sflag:$0x1] =	stream.linear.gather [hbm4b:s6+s3], $0x280, $0x38;
	[tilespmem:$0xEE00] =	vst v63  }
0x47: {  	p1 =	sne.s32 s1, $0x17200;
	_ =	swait.ge [sflag:s13], $0x280  }
0x48: {  	[sflag:s13] =	ssyncset.done $0x0  }
0x49: {  	[sflag:s13] =	ssyncadd.s32 $0xFFFFFD80  }
0x4a: {  	[tilespmem:s14], [sflag:$0x1] =	stream.linear.gather [hbm4b:s31+s3], $0x2800, $0x38;
	[tilespmem:$0xEE00] =	vst v63  }
0x4b: {  	_ =	swait.ge [sflag:s13], $0x2800  }
0x4c: {  	[sflag:s13] =	ssyncset.done $0x0  }
0x4d: {  	[sflag:s13] =	ssyncadd.s32 $0xFFFFD800  }
0x4e: {  	[spmem:s2] =	stream.indirect.scatter.add.f32 [tilespmem:s14], [sflag:$0x1], $0x10, s3, s15, $0xb8;
	[tilespmem:$0xEE00] =	vst v63  }
0x4f: {  	_ =	swait.ge [sflag:s13], $0x500  }
0x50: {  	[sflag:s13] =	ssyncset.done $0x0  }
0x51: {  	[sflag:s13] =	ssyncadd.s32 $0xFFFFFB00  }
0x52: {  	[spmem:s2] =	stream.indirect.scatter.add.f32 [tilespmem:s16], [sflag:$0x1], $0x10, s15, s15, $0xb8;
	[tilespmem:$0xEE00] =	vst v63  }
0x53: {  	_ =	swait.ge [sflag:s13], $0x500  }
0x54: {  	[sflag:s13] =	ssyncset.done $0x0  }
0x55: {  	[sflag:s13] =	ssyncadd.s32 $0xFFFFFB00  }
0x56: {  	[spmem:s2] =	stream.indirect.scatter.add.f32 [tilespmem:s18], [sflag:$0x1], $0x10, s17, s15, $0xb8;
	[tilespmem:$0xEE00] =	vst v63  }
0x57: {  	_ =	swait.ge [sflag:s13], $0x500  }
0x58: {  	[sflag:s13] =	ssyncset.done $0x0  }
0x59: {  	[sflag:s13] =	ssyncadd.s32 $0xFFFFFB00  }
0x5a: {  	[spmem:s2] =	stream.indirect.scatter.add.f32 [tilespmem:s20], [sflag:$0x1], $0x10, s19, s15, $0xb8;
	[tilespmem:$0xEE00] =	vst v63  }
0x5b: {  	_ =	swait.ge [sflag:s13], $0x500  }
0x5c: {  	[sflag:s13] =	ssyncset.done $0x0  }
0x5d: {  	[sflag:s13] =	ssyncadd.s32 $0xFFFFFB00  }
0x5e: {  	[spmem:s2] =	stream.indirect.scatter.add.f32 [tilespmem:s22], [sflag:$0x1], $0x10, s21, s15, $0xb8;
	[tilespmem:$0xEE00] =	vst v63  }
0x5f: {  	_ =	swait.ge [sflag:s13], $0x500  }
0x60: {  	[sflag:s13] =	ssyncset.done $0x0  }
0x61: {  	[sflag:s13] =	ssyncadd.s32 $0xFFFFFB00  }
0x62: {  	[spmem:s2] =	stream.indirect.scatter.add.f32 [tilespmem:s24], [sflag:$0x1], $0x10, s23, s15, $0xb8;
	[tilespmem:$0xEE00] =	vst v63  }
0x63: {  	_ =	swait.ge [sflag:s13], $0x500  }
0x64: {  	[sflag:s13] =	ssyncset.done $0x0  }
0x65: {  	[sflag:s13] =	ssyncadd.s32 $0xFFFFFB00  }
0x66: {  	[spmem:s2] =	stream.indirect.scatter.add.f32 [tilespmem:s26], [sflag:$0x1], $0x10, s25, s15, $0xb8;
	[tilespmem:$0xEE00] =	vst v63  }
0x67: {  	_ =	swait.ge [sflag:s13], $0x500  }
.Ltmp0:
0x68: {  	[sflag:s13] =	ssyncset.done $0x0;
	(pc) =	sbr.rel @p1 .LBB2_2-.Ltmp0, $4  }
0x69: {  	[sflag:s13] =	ssyncadd.s32 $0xFFFFFB00  }
0x6a: {  	[spmem:s2] =	stream.indirect.scatter.add.f32 [tilespmem:s29], [sflag:$0x1], $0x10, s28, s15, $0xb8;
	[tilespmem:$0xEE00] =	vst v63  }
0x6b: {  	_ =	swait.ge [sflag:s13], $0x500  }
0x6c: {  	s1 =	smov.u32 s4;
	s31 =	sadd.s32 $0xA000, s31;
	[sflag:s13] =	ssyncset.done $0x0  }
0x6d: {  	s0 =	sadd.s32 s0, s11;
	[sflag:s13] =	ssyncadd.s32 $0xFFFFFB00  }
0x6e: {  	[tilespmem:s3], [sflag:$0x1] =	stream.linear.gather [hbm4b:s0+s3], $0x280, $0x38;
	[tilespmem:$0xEE00] =	vst v63  }
0x6f: {  	_ =	swait.ge [sflag:s13], $0x280  }
0x70: {  	[sflag:s13] =	ssyncset.done $0x0  }
0x71: {  	[sflag:s13] =	ssyncadd.s32 $0xFFFFFD80  }
0x72: {  	[tilespmem:s14], [sflag:$0x1] =	stream.linear.gather [hbm4b:s31+s3], $0x2800, $0x38;
	[tilespmem:$0xEE00] =	vst v63  }
0x73: {  	_ =	swait.ge [sflag:s13], $0x2800  }
0x74: {  	[sflag:s13] =	ssyncset.done $0x0  }
0x75: {  	[sflag:s13] =	ssyncadd.s32 $0xFFFFD800  }
0x76: {  	[spmem:s2] =	stream.indirect.scatter.add.f32 [tilespmem:s14], [sflag:$0x1], $0x10, s3, s15, $0xb8;
	[tilespmem:$0xEE00] =	vst v63  }
0x77: {  	_ =	swait.ge [sflag:s13], $0x500  }
0x78: {  	[sflag:s13] =	ssyncset.done $0x0  }
0x79: {  	[sflag:s13] =	ssyncadd.s32 $0xFFFFFB00  }
0x7a: {  	[spmem:s2] =	stream.indirect.scatter.add.f32 [tilespmem:s16], [sflag:$0x1], $0x10, s15, s15, $0xb8;
	[tilespmem:$0xEE00] =	vst v63  }
0x7b: {  	_ =	swait.ge [sflag:s13], $0x500  }
0x7c: {  	[sflag:s13] =	ssyncset.done $0x0  }
0x7d: {  	[sflag:s13] =	ssyncadd.s32 $0xFFFFFB00  }
0x7e: {  	[spmem:s2] =	stream.indirect.scatter.add.f32 [tilespmem:s18], [sflag:$0x1], $0x10, s17, s15, $0xb8;
	[tilespmem:$0xEE00] =	vst v63  }
0x7f: {  	_ =	swait.ge [sflag:s13], $0x500  }
0x80: {  	[sflag:s13] =	ssyncset.done $0x0  }
0x81: {  	[sflag:s13] =	ssyncadd.s32 $0xFFFFFB00  }
0x82: {  	[spmem:s2] =	stream.indirect.scatter.add.f32 [tilespmem:s20], [sflag:$0x1], $0x10, s19, s15, $0xb8;
	[tilespmem:$0xEE00] =	vst v63  }
0x83: {  	_ =	swait.ge [sflag:s13], $0x500  }
0x84: {  	[sflag:s13] =	ssyncset.done $0x0  }
0x85: {  	[sflag:s13] =	ssyncadd.s32 $0xFFFFFB00  }
0x86: {  	[spmem:s2] =	stream.indirect.scatter.add.f32 [tilespmem:s22], [sflag:$0x1], $0x10, s21, s15, $0xb8;
	[tilespmem:$0xEE00] =	vst v63  }
0x87: {  	_ =	swait.ge [sflag:s13], $0x500  }
0x88: {  	[sflag:s13] =	ssyncset.done $0x0  }
0x89: {  	[sflag:s13] =	ssyncadd.s32 $0xFFFFFB00  }
0x8a: {  	[spmem:s2] =	stream.indirect.scatter.add.f32 [tilespmem:s24], [sflag:$0x1], $0x10, s23, s15, $0xb8;
	[tilespmem:$0xEE00] =	vst v63  }
0x8b: {  	_ =	swait.ge [sflag:s13], $0x500  }
0x8c: {  	[sflag:s13] =	ssyncset.done $0x0  }
0x8d: {  	[sflag:s13] =	ssyncadd.s32 $0xFFFFFB00  }
0x8e: {  	[spmem:s2] =	stream.indirect.scatter.add.f32 [tilespmem:s26], [sflag:$0x1], $0x10, s25, s15, $0xb8;
	[tilespmem:$0xEE00] =	vst v63  }
0x8f: {  	_ =	swait.ge [sflag:s13], $0x500  }
0x90: {  	[sflag:s13] =	ssyncset.done $0x0  }
0x91: {  	[sflag:s13] =	ssyncadd.s32 $0xFFFFFB00  }
0x92: {  	[spmem:s2] =	stream.indirect.scatter.add.f32 [tilespmem:s29], [sflag:$0x1], $0x10, s28, s15, $0xb8;
	[tilespmem:$0xEE00] =	vst v63  }
0x93: {  	_ =	swait.ge [sflag:s13], $0x500  }
0x94: {  	[sflag:s13] =	ssyncset.done $0x0  }
0x95: {  	s0 =	simm.s32 @!p0 $0x0;
	s1 =	rddreg [dreg:$0x5];
	[sflag:s13] =	ssyncadd.s32 $0xFFFFFB00  }
0x96: {  	[tilespmem:s0], [sflag:$0x1] =	stream.linear.gather @!p0 [hbm4b:s1+s0], $0x280, $0x38;
	[tilespmem:$0xEE00] =	vst v63  }
0x97: {  	s1 =	simm.s32 @!p0 $0x1  }
0x98: {  	_ =	swait.ge @!p0 [sflag:s1], $0x280  }
0x99: {  	[sflag:s1] =	ssyncset.done @!p0 $0x0  }
0x9a: {  	s4 =	simm.s32 @!p0 $0x280;
	[sflag:s1] =	ssyncadd.s32 @!p0 $0xFFFFFD80  }
0x9b: {  	[tilespmem:s4], [sflag:$0x1] =	stream.linear.gather @!p0 [hbm4b:s7+s0], $0x2800, $0x38;
	[tilespmem:$0xEE00] =	vst v63  }
0x9c: {  	_ =	swait.ge @!p0 [sflag:s1], $0x2800  }
0x9d: {  	[sflag:s1] =	ssyncset.done @!p0 $0x0  }
0x9e: {  	s6 =	simm.s32 @!p0 $0x50;
	[sflag:s1] =	ssyncadd.s32 @!p0 $0xFFFFD800  }
0x9f: {  	[spmem:s2] =	stream.indirect.scatter.add.f32 @!p0 [tilespmem:s4], [sflag:$0x1], $0x10, s0, s6, $0xb8;
	[tilespmem:$0xEE00] =	vst v63  }
0xa0: {  	_ =	swait.ge @!p0 [sflag:s1], $0x500  }
0xa1: {  	[sflag:s1] =	ssyncset.done @!p0 $0x0  }
0xa2: {  	s0 =	simm.s32 @!p0 $0x780;
	[sflag:s1] =	ssyncadd.s32 @!p0 $0xFFFFFB00  }
0xa3: {  	[spmem:s2] =	stream.indirect.scatter.add.f32 @!p0 [tilespmem:s0], [sflag:$0x1], $0x10, s6, s6, $0xb8;
	[tilespmem:$0xEE00] =	vst v63  }
0xa4: {  	_ =	swait.ge @!p0 [sflag:s1], $0x500  }
0xa5: {  	[sflag:s1] =	ssyncset.done @!p0 $0x0  }
0xa6: {  	s4 =	simm.s32 @!p0 $0xC80;
	s0 =	simm.s32 @!p0 $0xA0;
	[sflag:s1] =	ssyncadd.s32 @!p0 $0xFFFFFB00  }
0xa7: {  	[spmem:s2] =	stream.indirect.scatter.add.f32 @!p0 [tilespmem:s4], [sflag:$0x1], $0x10, s0, s6, $0xb8;
	[tilespmem:$0xEE00] =	vst v63  }
0xa8: {  	_ =	swait.ge @!p0 [sflag:s1], $0x500  }
0xa9: {  	[sflag:s1] =	ssyncset.done @!p0 $0x0  }
0xaa: {  	s0 =	simm.s32 @!p0 $0xF0;
	s4 =	simm.s32 @!p0 $0x1180;
	[sflag:s1] =	ssyncadd.s32 @!p0 $0xFFFFFB00  }
0xab: {  	[spmem:s2] =	stream.indirect.scatter.add.f32 @!p0 [tilespmem:s4], [sflag:$0x1], $0x10, s0, s6, $0xb8;
	[tilespmem:$0xEE00] =	vst v63  }
0xac: {  	_ =	swait.ge @!p0 [sflag:s1], $0x500  }
0xad: {  	[sflag:s1] =	ssyncset.done @!p0 $0x0  }
0xae: {  	s0 =	simm.s32 @!p0 $0x140;
	s4 =	simm.s32 @!p0 $0x1680;
	[sflag:s1] =	ssyncadd.s32 @!p0 $0xFFFFFB00  }
0xaf: {  	[spmem:s2] =	stream.indirect.scatter.add.f32 @!p0 [tilespmem:s4], [sflag:$0x1], $0x10, s0, s6, $0xb8;
	[tilespmem:$0xEE00] =	vst v63  }
0xb0: {  	_ =	swait.ge @!p0 [sflag:s1], $0x500  }
0xb1: {  	[sflag:s1] =	ssyncset.done @!p0 $0x0  }
0xb2: {  	s0 =	simm.s32 @!p0 $0x190;
	s4 =	simm.s32 @!p0 $0x1B80;
	[sflag:s1] =	ssyncadd.s32 @!p0 $0xFFFFFB00  }
0xb3: {  	[spmem:s2] =	stream.indirect.scatter.add.f32 @!p0 [tilespmem:s4], [sflag:$0x1], $0x10, s0, s6, $0xb8;
	[tilespmem:$0xEE00] =	vst v63  }
0xb4: {  	_ =	swait.ge @!p0 [sflag:s1], $0x500  }
0xb5: {  	[sflag:s1] =	ssyncset.done @!p0 $0x0  }
0xb6: {  	s0 =	simm.s32 @!p0 $0x1E0;
	s4 =	simm.s32 @!p0 $0x2080;
	[sflag:s1] =	ssyncadd.s32 @!p0 $0xFFFFFB00  }
0xb7: {  	[spmem:s2] =	stream.indirect.scatter.add.f32 @!p0 [tilespmem:s4], [sflag:$0x1], $0x10, s0, s6, $0xb8;
	[tilespmem:$0xEE00] =	vst v63  }
0xb8: {  	_ =	swait.ge @!p0 [sflag:s1], $0x500  }
0xb9: {  	[sflag:s1] =	ssyncset.done @!p0 $0x0  }
0xba: {  	s0 =	simm.s32 @!p0 $0x230;
	s4 =	simm.s32 @!p0 $0x2580;
	[sflag:s1] =	ssyncadd.s32 @!p0 $0xFFFFFB00  }
0xbb: {  	[spmem:s2] =	stream.indirect.scatter.add.f32 @!p0 [tilespmem:s4], [sflag:$0x1], $0x10, s0, s6, $0xb8;
	[tilespmem:$0xEE00] =	vst v63  }
0xbc: {  	_ =	swait.ge @!p0 [sflag:s1], $0x500  }
0xbd: {  	s30 =	sadd.s32 $0x1, s30;
	[sflag:s1] =	ssyncset.done @!p0 $0x0  }
0xbe: {  	p1 =	sne.s32 s30, s9;
	[sflag:s1] =	ssyncadd.s32 @!p0 $0xFFFFFB00  }
.Ltmp1:
0xbf: {  	[bflag:$0x0] =	sbarrier.arrive $0xFFFF;
	(pc) =	sbr.rel @p1 .LBB2_1-.Ltmp1, $4  }
0xc0: {  	[hbm:s8], [sflag:s5] =	dma.local [spmem:s12], $0x1870  }
0xc1: {  	_ =	swait.ge [sflag:s13], $0x1870  }
0xc2: {  	[sflag:s13] =	ssyncset.done $0x0  }
0xc3: {  	[sflag:s13] =	ssyncadd.s32 $0xFFFFE790  }
0xc4: {  	_ =	sfence.sel $0x180000  }
0xc5: {  	[bflag:$0x0] =	sbarrier.arrive $0xFFFF  }
0xc6: {  	_ =	strace $0x9000004A  }
0xc7: {  	s0 =	stileid.u32;
	[bflag:$0x2] =	sbarrier.arrive $0xFFFF  }
0xc8: {  	p0 =	sne.s32 s0, $0x0;
	s0 =	rddreg [dreg:$0x3]  }
0xc9: {  	s0 =	sadd.s32 @!p0 $0x100000, s0  }
0xca: {  	[sflag:s0] =	ssyncadd.tile.s32 @!p0 $0x1;
	_ =	shalt  }
.Lfunc_end2:
_tile_overlayer_lowered:
.L_overlay_start_2:
0xcb: {  	(tag) =	ssettag $0x2  }
0xcc: {  	s0 =	rddreg [dreg:$0x0];
	s2 =	stileid.u32  }
0xcd: {  	s1 =	rddreg [dreg:$0x1];
	p0 =	sne.s32 s2, $0x0  }
0xce: {  	s3 =	rddreg [dreg:$0x2];
	[bflag:$0x3] =	sbarrier.arrive $0xFFFF;
	s2 =	simm.s32 @!p0 $0x1C01  }
0xcf: {  	[timem:s3], [sflag:s2] =	dma.local @!p0 [hbm:s0], s1  }
0xd0: {  	s0 =	simm.s32 @!p0 $0x1  }
0xd1: {  	_ =	swait.ge @!p0 [sflag:s0], s1  }
0xd2: {  	s1 =	ssub.s32 @!p0 $0x0, s1;
	[sflag:s0] =	ssyncset.done @!p0 $0x0  }
0xd3: {  	[sflag:s0] =	ssyncadd.s32 @!p0 s1  }
0xd4: {  	[bflag:$0x3] =	sbarrier.arrive $0xFFFF  }
0xd5: {  	_ =	shalt  }

</sc_bundles>
